<compile_context>
chip_gen: v7x
topology: tpu7x:2x2x1
jax: 0.10.2.dev20260603
libtpu: 0.0.44.dev20260713+nightly
codegen_flags: <defaults>
</compile_context>

<pallas_src>
import functools

import jax
import jax.numpy as jnp
from jax import lax
from jax.experimental import pallas as pl
from jax.experimental.pallas import tpu as pltpu
from jax.experimental.pallas import tpu_sc as plsc

VOCAB = 100000
DIM = 128
BATCH = 16384
X_MAX = 100.0
ALPHA = 0.75

NC = 2
NS = 16
L = 16
NW = NC * NS
BPW = BATCH // NW
CH = 128
NCHUNK = BPW // CH

_mesh = plsc.VectorSubcoreMesh(core_axis_name="c", subcore_axis_name="s")

_GATHER_DNUMS = lax.GatherDimensionNumbers(
    offset_dims=(), collapsed_slice_dims=(0,), start_index_map=(0,))


def _lane_perm(v, perm):
    return lax.gather(v, perm[:, None], _GATHER_DNUMS, (1,),
                      mode=lax.GatherScatterMode.PROMISE_IN_BOUNDS)


def _stage_consts():
    lane = lax.iota(jnp.int32, L)
    out = []
    for lvl in range(4):
        s = 1 << lvl
        out.append((jnp.bitwise_xor(lane, s),
                    jnp.bitwise_and(lane, s) == 0))
    return out


def _combine(a, b, perm, m):
    ar = _lane_perm(a, perm)
    br = _lane_perm(b, perm)
    return jnp.where(m, a, br) + jnp.where(m, ar, b)


_LN2 = 0.6931471805599453
_LN_XMAX = 4.605170185988092


def _ln(x):
    e = jnp.zeros((L,), jnp.float32)
    m = x
    for kexp in (16, 8, 4, 2, 1):
        thr = float(2 ** kexp)
        cond = m >= thr
        m = jnp.where(cond, m * (1.0 / thr), m)
        e = e + jnp.where(cond, float(kexp), 0.0)
    s = (m - 1.0) / (m + 1.0)
    s2 = s * s
    p = 2.0 * s * (1.0 + s2 * (1.0 / 3.0 + s2 * (0.2 + s2 * (1.0 / 7.0
                   + s2 * (1.0 / 9.0)))))
    return p + e * _LN2


@functools.partial(
    pl.kernel,
    out_type=jax.ShapeDtypeStruct((NW, L), jnp.float32),
    mesh=_mesh,
    scratch_types=(
        [pltpu.VMEM((BPW,), jnp.int32)] * 2
        + [pltpu.VMEM((BPW,), jnp.float32)]
        + [pltpu.VMEM((2 * CH, DIM), jnp.float32)] * 2
        + [pltpu.VMEM((2 * CH,), jnp.float32)] * 2
        + [pltpu.VMEM((L * L,), jnp.float32)]
        + [pltpu.VMEM((L,), jnp.float32)]
        + [pltpu.SemaphoreType.DMA] * 2
    ),
)
def _glove_sc(i_hbm, j_hbm, x_hbm, w_hbm, wt_hbm, b_hbm, bt_hbm,
              out_hbm, ii_all, jj_all, xv_all, wi2, wj2,
              bi2, bj2, dmat, accbuf, sem0, sem1):
    wid = lax.axis_index("s") * NC + lax.axis_index("c")
    base = wid * BPW
    stages = _stage_consts()
    pltpu.sync_copy(i_hbm.at[pl.ds(base, BPW)], ii_all)
    pltpu.sync_copy(j_hbm.at[pl.ds(base, BPW)], jj_all)
    pltpu.sync_copy(x_hbm.at[pl.ds(base, BPW)], xv_all)
    sems = (sem0, sem1)

    def issue(loc, slot):
        soff = slot * CH
        iref = ii_all.at[pl.ds(loc, CH)]
        jref = jj_all.at[pl.ds(loc, CH)]
        sem = sems[slot]
        pltpu.async_copy(w_hbm.at[iref], wi2.at[pl.ds(soff, CH), :], sem)
        pltpu.async_copy(wt_hbm.at[jref], wj2.at[pl.ds(soff, CH), :], sem)
        pltpu.async_copy(b_hbm.at[iref], bi2.at[pl.ds(soff, CH)], sem)
        pltpu.async_copy(bt_hbm.at[jref], bj2.at[pl.ds(soff, CH)], sem)

    def drain(slot):
        soff = slot * CH
        iref = ii_all.at[pl.ds(0, CH)]
        jref = jj_all.at[pl.ds(0, CH)]
        sem = sems[slot]
        pltpu.make_async_copy(w_hbm.at[iref], wi2.at[pl.ds(soff, CH), :],
                              sem).wait()
        pltpu.make_async_copy(wt_hbm.at[jref], wj2.at[pl.ds(soff, CH), :],
                              sem).wait()
        pltpu.make_async_copy(b_hbm.at[iref], bi2.at[pl.ds(soff, CH)],
                              sem).wait()
        pltpu.make_async_copy(bt_hbm.at[jref], bj2.at[pl.ds(soff, CH)],
                              sem).wait()

    issue(0, 0)

    def chunk_body(ch, acc):
        par = jnp.bitwise_and(ch, 1)
        loc = ch * CH
        soff = par * CH

        @pl.when(par == 0)
        def _():
            drain(0)

        @pl.when(par == 1)
        def _():
            drain(1)

        @pl.when(ch + 1 < NCHUNK)
        def _():
            @pl.when(par == 0)
            def _():
                issue(loc + CH, 1)

            @pl.when(par == 1)
            def _():
                issue(loc + CH, 0)

        def grp_body(g, carry):
            def one_row(r):
                d0 = wi2[r, pl.ds(0, L)] * wj2[r, pl.ds(0, L)]
                d1 = wi2[r, pl.ds(L, L)] * wj2[r, pl.ds(L, L)]
                d2 = wi2[r, pl.ds(2 * L, L)] * wj2[r, pl.ds(2 * L, L)]
                d3 = wi2[r, pl.ds(3 * L, L)] * wj2[r, pl.ds(3 * L, L)]
                for k in range(4, DIM // L):
                    q = k % 4
                    p = wi2[r, pl.ds(k * L, L)] * wj2[r, pl.ds(k * L, L)]
                    if q == 0:
                        d0 = d0 + p
                    elif q == 1:
                        d1 = d1 + p
                    elif q == 2:
                        d2 = d2 + p
                    else:
                        d3 = d3 + p
                return (d0 + d1) + (d2 + d3)

            def quad_body(q16, t):
                r = soff + g * L + 4 * q16
                da = _combine(one_row(r), one_row(r + 1), *stages[0])
                db = _combine(one_row(r + 2), one_row(r + 3), *stages[0])
                dmat[pl.ds(q16 * L, L)] = _combine(da, db, *stages[1])
                return t

            lax.fori_loop(0, L // 4, quad_body, 0, unroll=2)
            vecs = [dmat[pl.ds(r * L, L)] for r in range(L // 4)]
            lvl = 2
            while len(vecs) > 1:
                perm, m = stages[lvl]
                vecs = [_combine(vecs[k], vecs[k + 1], perm, m)
                        for k in range(0, len(vecs), 2)]
                lvl += 1
            dotv = vecs[0]
            sl = pl.ds(soff + g * L, L)
            sg = pl.ds(loc + g * L, L)
            lnx = _ln(xv_all[sg])
            wf = jnp.minimum(jnp.exp((lnx - _LN_XMAX) * ALPHA), 1.0)
            diff = dotv + bi2[sl] + bj2[sl] - lnx
            return carry + wf * diff * diff

        return lax.fori_loop(0, CH // L, grp_body, acc, unroll=1)

    acc = lax.fori_loop(0, NCHUNK, chunk_body, jnp.zeros((L,), jnp.float32),
                        unroll=1)
    accbuf[...] = acc
    pltpu.sync_copy(accbuf, out_hbm.at[wid])


def kernel(i, j, x, W, W_tilde, bias, bias_tilde):
    parts = _glove_sc(i.astype(jnp.int32), j.astype(jnp.int32),
                      x.astype(jnp.float32), W, W_tilde, bias, bias_tilde)
    return jnp.sum(parts) / BATCH

# --- scband reference (transcript-rebuilt; emitter-appended) ---
"""Pipeline reference for scband-glo-ve-9972914061376 (READ-ONLY COPY).

The authoritative reference and input builder live on the scoring server;
editing this copy changes nothing except your own understanding.
"""

import jax, jax.numpy as jnp
import numpy as np

VOCAB = 100000
DIM = 128
BATCH = 16384
X_MAX = 100.0
ALPHA = 0.75

def setup_inputs(seed: int = 0) -> dict:
    key = jax.random.key(seed)
    k_i, k_j, k_x, k_w, k_wt, k_b, k_bt = jax.random.split(key, 7)
    i = jax.random.randint(k_i, (BATCH,), 0, VOCAB, dtype=jnp.int64) if jax.config.jax_enable_x64 else jax.random.randint(k_i, (BATCH,), 0, VOCAB, dtype=jnp.int32)
    j = jax.random.randint(k_j, (BATCH,), 0, VOCAB, dtype=i.dtype)
    # co-occurrence counts must be strictly positive (log is taken)
    x = jax.random.uniform(k_x, (BATCH,), dtype=jnp.float32, minval=1.0, maxval=float(X_MAX))
    W = jax.random.normal(k_w, (VOCAB, DIM), dtype=jnp.float32)
    W_tilde = jax.random.normal(k_wt, (VOCAB, DIM), dtype=jnp.float32)
    bias = jax.random.normal(k_b, (VOCAB,), dtype=jnp.float32)
    bias_tilde = jax.random.normal(k_bt, (VOCAB,), dtype=jnp.float32)
    return {"i": i, "j": j, "x": x, "W": W, "W_tilde": W_tilde, "bias": bias, "bias_tilde": bias_tilde}

def reference(i, j, x, W, W_tilde, bias, bias_tilde):
    # GloVe weighted least-squares loss
    wi = jnp.take(W, i, axis=0)            # [B, D] gather
    wj = jnp.take(W_tilde, j, axis=0)      # [B, D] gather
    dot = jnp.sum(wi * wj, axis=1)         # [B]
    bi = jnp.take(bias, i, axis=0)
    bj = jnp.take(bias_tilde, j, axis=0)
    diff = dot + bi + bj - jnp.log(x)
    loss = jnp.square(diff)
    wf = jnp.clip(jnp.float_power(x / X_MAX, ALPHA).astype(jnp.float32), 0.0, 1.0)
    return jnp.mean(wf * loss)

if __name__ == "__main__":
    import jax
    _d = setup_inputs()
    print(jax.jit(kernel)(*tuple(_d.values())))

</pallas_src>

<mosaic_0001>
#map = affine_map<(d0, d1) -> (0)>
#map1 = affine_map<(d0, d1) -> (0, 0)>
module attributes {stable_mosaic.version = 14 : i64} {
  func.func @_glove_sc(%arg0: i32, %arg1: i32, %arg2: memref<16384xi32, #tpu.memory_space<hbm>>, %arg3: memref<16384xi32, #tpu.memory_space<hbm>>, %arg4: memref<16384xf32, #tpu.memory_space<hbm>>, %arg5: memref<100000x128xf32, #tpu.memory_space<hbm>>, %arg6: memref<100000x128xf32, #tpu.memory_space<hbm>>, %arg7: memref<100000xf32, #tpu.memory_space<hbm>>, %arg8: memref<100000xf32, #tpu.memory_space<hbm>>, %arg9: memref<32x16xf32, #tpu.memory_space<hbm>>, %arg10: memref<512xi32, #tpu.memory_space<vmem>>, %arg11: memref<512xi32, #tpu.memory_space<vmem>>, %arg12: memref<512xf32, #tpu.memory_space<vmem>>, %arg13: memref<256x128xf32, #tpu.memory_space<vmem>>, %arg14: memref<256x128xf32, #tpu.memory_space<vmem>>, %arg15: memref<256xf32, #tpu.memory_space<vmem>>, %arg16: memref<256xf32, #tpu.memory_space<vmem>>, %arg17: memref<256xf32, #tpu.memory_space<vmem>>, %arg18: memref<16xf32, #tpu.memory_space<vmem>>, %arg19: memref<!tpu.dma_semaphore, #tpu.memory_space<semaphore_mem>>, %arg20: memref<!tpu.dma_semaphore, #tpu.memory_space<semaphore_mem>>) attributes {dimension_semantics = [#tpu.dimension_semantics<core_parallel>, #tpu.dimension_semantics<subcore_parallel>], iteration_bounds = array<i64: 2, 16>, scalar_prefetch = 0 : i64, scratch_operands = 11 : i64, tpu.core_type = #tpu.core_type<sc_vector_subcore>, window_params = [{transform_indices = #map}, {transform_indices = #map}, {transform_indices = #map}, {transform_indices = #map1}, {transform_indices = #map1}, {transform_indices = #map}, {transform_indices = #map}, {transform_indices = #map1}]} {
    %mul3A = arith.constant 2 : i32
    %mul3A_0 = arith.muli %arg1, %mul3A : i32
    %add3A = arith.addi %mul3A_0, %arg0 : i32
    %mul3A_1 = arith.constant 512 : i32
    %mul3A_2 = arith.muli %add3A, %mul3A_1 : i32
    %iota3A = tpu.iota {dimensions = array<i32: 0>} : vector<16xi32>
    %xor3A = arith.constant 1 : i32
    %xor3A_3 = vector.broadcast %xor3A : i32 to vector<16xi32>
    %xor3A_4 = arith.xori %iota3A, %xor3A_3 : vector<16xi32>
    %and3A = arith.constant 1 : i32
    %and3A_5 = vector.broadcast %and3A : i32 to vector<16xi32>
    %and3A_6 = arith.andi %iota3A, %and3A_5 : vector<16xi32>
    %eq3A = arith.constant 0 : i32
    %eq3A_7 = vector.broadcast %eq3A : i32 to vector<16xi32>
    %eq3A_8 = arith.cmpi eq, %and3A_6, %eq3A_7 : vector<16xi32>
    %xor3A_9 = arith.constant 2 : i32
    %xor3A_10 = vector.broadcast %xor3A_9 : i32 to vector<16xi32>
    %xor3A_11 = arith.xori %iota3A, %xor3A_10 : vector<16xi32>
    %and3A_12 = arith.constant 2 : i32
    %and3A_13 = vector.broadcast %and3A_12 : i32 to vector<16xi32>
    %and3A_14 = arith.andi %iota3A, %and3A_13 : vector<16xi32>
    %eq3A_15 = arith.constant 0 : i32
    %eq3A_16 = vector.broadcast %eq3A_15 : i32 to vector<16xi32>
    %eq3A_17 = arith.cmpi eq, %and3A_14, %eq3A_16 : vector<16xi32>
    %xor3A_18 = arith.constant 4 : i32
    %xor3A_19 = vector.broadcast %xor3A_18 : i32 to vector<16xi32>
    %xor3A_20 = arith.xori %iota3A, %xor3A_19 : vector<16xi32>
    %and3A_21 = arith.constant 4 : i32
    %and3A_22 = vector.broadcast %and3A_21 : i32 to vector<16xi32>
    %and3A_23 = arith.andi %iota3A, %and3A_22 : vector<16xi32>
    %eq3A_24 = arith.constant 0 : i32
    %eq3A_25 = vector.broadcast %eq3A_24 : i32 to vector<16xi32>
    %eq3A_26 = arith.cmpi eq, %and3A_23, %eq3A_25 : vector<16xi32>
    %xor3A_27 = arith.constant 8 : i32
    %xor3A_28 = vector.broadcast %xor3A_27 : i32 to vector<16xi32>
    %xor3A_29 = arith.xori %iota3A, %xor3A_28 : vector<16xi32>
    %and3A_30 = arith.constant 8 : i32
    %and3A_31 = vector.broadcast %and3A_30 : i32 to vector<16xi32>
    %and3A_32 = arith.andi %iota3A, %and3A_31 : vector<16xi32>
    %eq3A_33 = arith.constant 0 : i32
    %eq3A_34 = vector.broadcast %eq3A_33 : i32 to vector<16xi32>
    %eq3A_35 = arith.cmpi eq, %and3A_32, %eq3A_34 : vector<16xi32>
    "tpu.region"() ({
      %run_scoped3A = tpu.sem_alloc : memref<!tpu.dma_semaphore, #tpu.memory_space<semaphore_mem>>
      %dma_start3A_72 = tpu.memref_slice %arg2[%mul3A_2] : memref<16384xi32, #tpu.memory_space<hbm>> -> memref<512xi32, #tpu.memory_space<hbm>>
      %dma_start3A_73 = tpu.memref_slice %arg2[%mul3A_2] : memref<16384xi32, #tpu.memory_space<hbm>> -> memref<512xi32, #tpu.memory_space<hbm>>
      tpu.enqueue_dma source(%dma_start3A_73 : memref<512xi32, #tpu.memory_space<hbm>>) target(%arg10 : memref<512xi32, #tpu.memory_space<vmem>>) target_semaphore(%run_scoped3A : memref<!tpu.dma_semaphore, #tpu.memory_space<semaphore_mem>>)
      %dma_wait3A = tpu.memref_slice %arg2[%mul3A_2] : memref<16384xi32, #tpu.memory_space<hbm>> -> memref<512xi32, #tpu.memory_space<hbm>>
      %dma_wait3A_74 = tpu.memref_slice %arg2[%mul3A_2] : memref<16384xi32, #tpu.memory_space<hbm>> -> memref<512xi32, #tpu.memory_space<hbm>>
      tpu.wait_dma2 semaphore(%run_scoped3A : memref<!tpu.dma_semaphore, #tpu.memory_space<semaphore_mem>>) src(%dma_wait3A_74 : memref<512xi32, #tpu.memory_space<hbm>>) dst(%arg10 : memref<512xi32, #tpu.memory_space<vmem>>)
      tpu.yield
    }) : () -> ()
    "tpu.region"() ({
      %run_scoped3A = tpu.sem_alloc : memref<!tpu.dma_semaphore, #tpu.memory_space<semaphore_mem>>
      %dma_start3A_72 = tpu.memref_slice %arg3[%mul3A_2] : memref<16384xi32, #tpu.memory_space<hbm>> -> memref<512xi32, #tpu.memory_space<hbm>>
      %dma_start3A_73 = tpu.memref_slice %arg3[%mul3A_2] : memref<16384xi32, #tpu.memory_space<hbm>> -> memref<512xi32, #tpu.memory_space<hbm>>
      tpu.enqueue_dma source(%dma_start3A_73 : memref<512xi32, #tpu.memory_space<hbm>>) target(%arg11 : memref<512xi32, #tpu.memory_space<vmem>>) target_semaphore(%run_scoped3A : memref<!tpu.dma_semaphore, #tpu.memory_space<semaphore_mem>>)
      %dma_wait3A = tpu.memref_slice %arg3[%mul3A_2] : memref<16384xi32, #tpu.memory_space<hbm>> -> memref<512xi32, #tpu.memory_space<hbm>>
      %dma_wait3A_74 = tpu.memref_slice %arg3[%mul3A_2] : memref<16384xi32, #tpu.memory_space<hbm>> -> memref<512xi32, #tpu.memory_space<hbm>>
      tpu.wait_dma2 semaphore(%run_scoped3A : memref<!tpu.dma_semaphore, #tpu.memory_space<semaphore_mem>>) src(%dma_wait3A_74 : memref<512xi32, #tpu.memory_space<hbm>>) dst(%arg11 : memref<512xi32, #tpu.memory_space<vmem>>)
      tpu.yield
    }) : () -> ()
    "tpu.region"() ({
      %run_scoped3A = tpu.sem_alloc : memref<!tpu.dma_semaphore, #tpu.memory_space<semaphore_mem>>
      %dma_start3A_72 = tpu.memref_slice %arg4[%mul3A_2] : memref<16384xf32, #tpu.memory_space<hbm>> -> memref<512xf32, #tpu.memory_space<hbm>>
      %dma_start3A_73 = tpu.memref_slice %arg4[%mul3A_2] : memref<16384xf32, #tpu.memory_space<hbm>> -> memref<512xf32, #tpu.memory_space<hbm>>
      tpu.enqueue_dma source(%dma_start3A_73 : memref<512xf32, #tpu.memory_space<hbm>>) target(%arg12 : memref<512xf32, #tpu.memory_space<vmem>>) target_semaphore(%run_scoped3A : memref<!tpu.dma_semaphore, #tpu.memory_space<semaphore_mem>>)
      %dma_wait3A = tpu.memref_slice %arg4[%mul3A_2] : memref<16384xf32, #tpu.memory_space<hbm>> -> memref<512xf32, #tpu.memory_space<hbm>>
      %dma_wait3A_74 = tpu.memref_slice %arg4[%mul3A_2] : memref<16384xf32, #tpu.memory_space<hbm>> -> memref<512xf32, #tpu.memory_space<hbm>>
      tpu.wait_dma2 semaphore(%run_scoped3A : memref<!tpu.dma_semaphore, #tpu.memory_space<semaphore_mem>>) src(%dma_wait3A_74 : memref<512xf32, #tpu.memory_space<hbm>>) dst(%arg12 : memref<512xf32, #tpu.memory_space<vmem>>)
      tpu.yield
    }) : () -> ()
    %dma_start3A = arith.constant 0 : i32
    %dma_start3A_36 = arith.constant 0 : i32
    %dma_start3A_37 = tpu.memref_slice %arg13[%dma_start3A, %dma_start3A_36] : memref<256x128xf32, #tpu.memory_space<vmem>> -> memref<128x128xf32, #tpu.memory_space<vmem>>
    %dma_start3A_38 = arith.constant 0 : i32
    %dma_start3A_39 = tpu.memref_slice %arg10[%dma_start3A_38] : memref<512xi32, #tpu.memory_space<vmem>> -> memref<128xi32, #tpu.memory_space<vmem>>
    %dma_start3A_40 = arith.constant 0 : i32
    %dma_start3A_41 = arith.constant 0 : i32
    %dma_start3A_42 = tpu.memref_slice %arg5[%dma_start3A_40, %dma_start3A_41] : memref<100000x128xf32, #tpu.memory_space<hbm>> -> memref<100000x128xf32, #tpu.memory_space<hbm>>
    tpu.enqueue_indirect_dma source(%dma_start3A_42 : memref<100000x128xf32, #tpu.memory_space<hbm>>) target(%dma_start3A_37 : memref<128x128xf32, #tpu.memory_space<vmem>>) offsets(%dma_start3A_39 : memref<128xi32, #tpu.memory_space<vmem>>) semaphore(%arg19 : memref<!tpu.dma_semaphore, #tpu.memory_space<semaphore_mem>>)
    %dma_start3A_43 = arith.constant 0 : i32
    %dma_start3A_44 = arith.constant 0 : i32
    %dma_start3A_45 = tpu.memref_slice %arg14[%dma_start3A_43, %dma_start3A_44] : memref<256x128xf32, #tpu.memory_space<vmem>> -> memref<128x128xf32, #tpu.memory_space<vmem>>
    %dma_start3A_46 = arith.constant 0 : i32
    %dma_start3A_47 = tpu.memref_slice %arg11[%dma_start3A_46] : memref<512xi32, #tpu.memory_space<vmem>> -> memref<128xi32, #tpu.memory_space<vmem>>
    %dma_start3A_48 = arith.constant 0 : i32
    %dma_start3A_49 = arith.constant 0 : i32
    %dma_start3A_50 = tpu.memref_slice %arg6[%dma_start3A_48, %dma_start3A_49] : memref<100000x128xf32, #tpu.memory_space<hbm>> -> memref<100000x128xf32, #tpu.memory_space<hbm>>
    tpu.enqueue_indirect_dma source(%dma_start3A_50 : memref<100000x128xf32, #tpu.memory_space<hbm>>) target(%dma_start3A_45 : memref<128x128xf32, #tpu.memory_space<vmem>>) offsets(%dma_start3A_47 : memref<128xi32, #tpu.memory_space<vmem>>) semaphore(%arg19 : memref<!tpu.dma_semaphore, #tpu.memory_space<semaphore_mem>>)
    %dma_start3A_51 = arith.constant 0 : i32
    %dma_start3A_52 = tpu.memref_slice %arg15[%dma_start3A_51] : memref<256xf32, #tpu.memory_space<vmem>> -> memref<128xf32, #tpu.memory_space<vmem>>
    %dma_start3A_53 = arith.constant 0 : i32
    %dma_start3A_54 = tpu.memref_slice %arg10[%dma_start3A_53] : memref<512xi32, #tpu.memory_space<vmem>> -> memref<128xi32, #tpu.memory_space<vmem>>
    %dma_start3A_55 = arith.constant 0 : i32
    %dma_start3A_56 = tpu.memref_slice %arg7[%dma_start3A_55] : memref<100000xf32, #tpu.memory_space<hbm>> -> memref<100000xf32, #tpu.memory_space<hbm>>
    tpu.enqueue_indirect_dma source(%dma_start3A_56 : memref<100000xf32, #tpu.memory_space<hbm>>) target(%dma_start3A_52 : memref<128xf32, #tpu.memory_space<vmem>>) offsets(%dma_start3A_54 : memref<128xi32, #tpu.memory_space<vmem>>) semaphore(%arg19 : memref<!tpu.dma_semaphore, #tpu.memory_space<semaphore_mem>>)
    %dma_start3A_57 = arith.constant 0 : i32
    %dma_start3A_58 = tpu.memref_slice %arg16[%dma_start3A_57] : memref<256xf32, #tpu.memory_space<vmem>> -> memref<128xf32, #tpu.memory_space<vmem>>
    %dma_start3A_59 = arith.constant 0 : i32
    %dma_start3A_60 = tpu.memref_slice %arg11[%dma_start3A_59] : memref<512xi32, #tpu.memory_space<vmem>> -> memref<128xi32, #tpu.memory_space<vmem>>
    %dma_start3A_61 = arith.constant 0 : i32
    %dma_start3A_62 = tpu.memref_slice %arg8[%dma_start3A_61] : memref<100000xf32, #tpu.memory_space<hbm>> -> memref<100000xf32, #tpu.memory_space<hbm>>
    tpu.enqueue_indirect_dma source(%dma_start3A_62 : memref<100000xf32, #tpu.memory_space<hbm>>) target(%dma_start3A_58 : memref<128xf32, #tpu.memory_space<vmem>>) offsets(%dma_start3A_60 : memref<128xi32, #tpu.memory_space<vmem>>) semaphore(%arg19 : memref<!tpu.dma_semaphore, #tpu.memory_space<semaphore_mem>>)
    %broadcast_in_dim3A = arith.constant 0.000000e+00 : f32
    %broadcast_in_dim3A_63 = vector.broadcast %broadcast_in_dim3A : f32 to vector<16xf32>
    %scan3A = arith.constant 0 : i32
    %scan3A_64 = arith.constant 4 : i32
    %scan3A_65 = arith.addi %scan3A, %scan3A_64 : i32
    %scan3A_66 = arith.constant 1 : i32
    %scan3A_67 = scf.for %scan3A_72 = %scan3A to %scan3A_65 step %scan3A_66 iter_args(%scan3A_73 = %broadcast_in_dim3A_63) -> (vector<16xf32>)  : i32 {
      %and3A_74 = arith.constant 1 : i32
      %and3A_75 = arith.andi %scan3A_72, %and3A_74 : i32
      %mul3A_76 = arith.constant 128 : i32
      %mul3A_77 = arith.muli %scan3A_72, %mul3A_76 : i32
      %mul3A_78 = arith.constant 128 : i32
      %mul3A_79 = arith.muli %and3A_75, %mul3A_78 : i32
      %eq3A_80 = arith.constant 0 : i32
      %eq3A_81 = arith.cmpi eq, %and3A_75, %eq3A_80 : i32
      %convert_element_type3A = arith.extui %eq3A_81 : i1 to i32
      %cond3A = arith.constant 0 : i32
      %cond3A_82 = arith.cmpi ne, %convert_element_type3A, %cond3A : i32
      scf.if %cond3A_82 {
        %dma_wait3A = arith.constant 0 : i32
        %dma_wait3A_100 = arith.constant 0 : i32
        %dma_wait3A_101 = tpu.memref_slice %arg13[%dma_wait3A, %dma_wait3A_100] : memref<256x128xf32, #tpu.memory_space<vmem>> -> memref<128x128xf32, #tpu.memory_space<vmem>>
        %dma_wait3A_102 = arith.constant 0 : i32
        %dma_wait3A_103 = tpu.memref_slice %arg10[%dma_wait3A_102] : memref<512xi32, #tpu.memory_space<vmem>> -> memref<128xi32, #tpu.memory_space<vmem>>
        %dma_wait3A_104 = arith.constant 0 : i32
        %dma_wait3A_105 = arith.constant 0 : i32
        %dma_wait3A_106 = tpu.memref_slice %arg5[%dma_wait3A_104, %dma_wait3A_105] : memref<100000x128xf32, #tpu.memory_space<hbm>> -> memref<100000x128xf32, #tpu.memory_space<hbm>>
        tpu.wait_indirect_dma semaphore(%arg19 : memref<!tpu.dma_semaphore, #tpu.memory_space<semaphore_mem>>) src(%dma_wait3A_106 : memref<100000x128xf32, #tpu.memory_space<hbm>>) dst(%dma_wait3A_101 : memref<128x128xf32, #tpu.memory_space<vmem>>)
        %dma_wait3A_107 = arith.constant 0 : i32
        %dma_wait3A_108 = arith.constant 0 : i32
        %dma_wait3A_109 = tpu.memref_slice %arg14[%dma_wait3A_107, %dma_wait3A_108] : memref<256x128xf32, #tpu.memory_space<vmem>> -> memref<128x128xf32, #tpu.memory_space<vmem>>
        %dma_wait3A_110 = arith.constant 0 : i32
        %dma_wait3A_111 = tpu.memref_slice %arg11[%dma_wait3A_110] : memref<512xi32, #tpu.memory_space<vmem>> -> memref<128xi32, #tpu.memory_space<vmem>>
        %dma_wait3A_112 = arith.constant 0 : i32
        %dma_wait3A_113 = arith.constant 0 : i32
        %dma_wait3A_114 = tpu.memref_slice %arg6[%dma_wait3A_112, %dma_wait3A_113] : memref<100000x128xf32, #tpu.memory_space<hbm>> -> memref<100000x128xf32, #tpu.memory_space<hbm>>
        tpu.wait_indirect_dma semaphore(%arg19 : memref<!tpu.dma_semaphore, #tpu.memory_space<semaphore_mem>>) src(%dma_wait3A_114 : memref<100000x128xf32, #tpu.memory_space<hbm>>) dst(%dma_wait3A_109 : memref<128x128xf32, #tpu.memory_space<vmem>>)
        %dma_wait3A_115 = arith.constant 0 : i32
        %dma_wait3A_116 = tpu.memref_slice %arg15[%dma_wait3A_115] : memref<256xf32, #tpu.memory_space<vmem>> -> memref<128xf32, #tpu.memory_space<vmem>>
        %dma_wait3A_117 = arith.constant 0 : i32
        %dma_wait3A_118 = tpu.memref_slice %arg10[%dma_wait3A_117] : memref<512xi32, #tpu.memory_space<vmem>> -> memref<128xi32, #tpu.memory_space<vmem>>
        %dma_wait3A_119 = arith.constant 0 : i32
        %dma_wait3A_120 = tpu.memref_slice %arg7[%dma_wait3A_119] : memref<100000xf32, #tpu.memory_space<hbm>> -> memref<100000xf32, #tpu.memory_space<hbm>>
        tpu.wait_indirect_dma semaphore(%arg19 : memref<!tpu.dma_semaphore, #tpu.memory_space<semaphore_mem>>) src(%dma_wait3A_120 : memref<100000xf32, #tpu.memory_space<hbm>>) dst(%dma_wait3A_116 : memref<128xf32, #tpu.memory_space<vmem>>)
        %dma_wait3A_121 = arith.constant 0 : i32
        %dma_wait3A_122 = tpu.memref_slice %arg16[%dma_wait3A_121] : memref<256xf32, #tpu.memory_space<vmem>> -> memref<128xf32, #tpu.memory_space<vmem>>
        %dma_wait3A_123 = arith.constant 0 : i32
        %dma_wait3A_124 = tpu.memref_slice %arg11[%dma_wait3A_123] : memref<512xi32, #tpu.memory_space<vmem>> -> memref<128xi32, #tpu.memory_space<vmem>>
        %dma_wait3A_125 = arith.constant 0 : i32
        %dma_wait3A_126 = tpu.memref_slice %arg8[%dma_wait3A_125] : memref<100000xf32, #tpu.memory_space<hbm>> -> memref<100000xf32, #tpu.memory_space<hbm>>
        tpu.wait_indirect_dma semaphore(%arg19 : memref<!tpu.dma_semaphore, #tpu.memory_space<semaphore_mem>>) src(%dma_wait3A_126 : memref<100000xf32, #tpu.memory_space<hbm>>) dst(%dma_wait3A_122 : memref<128xf32, #tpu.memory_space<vmem>>)
      } else {
      }
      %eq3A_83 = arith.constant 1 : i32
      %eq3A_84 = arith.cmpi eq, %and3A_75, %eq3A_83 : i32
      %convert_element_type3A_85 = arith.extui %eq3A_84 : i1 to i32
      %cond3A_86 = arith.constant 0 : i32
      %cond3A_87 = arith.cmpi ne, %convert_element_type3A_85, %cond3A_86 : i32
      scf.if %cond3A_87 {
        %dma_wait3A = arith.constant 128 : i32
        %dma_wait3A_100 = arith.constant 0 : i32
        %dma_wait3A_101 = tpu.memref_slice %arg13[%dma_wait3A, %dma_wait3A_100] : memref<256x128xf32, #tpu.memory_space<vmem>> -> memref<128x128xf32, #tpu.memory_space<vmem>>
        %dma_wait3A_102 = arith.constant 0 : i32
        %dma_wait3A_103 = tpu.memref_slice %arg10[%dma_wait3A_102] : memref<512xi32, #tpu.memory_space<vmem>> -> memref<128xi32, #tpu.memory_space<vmem>>
        %dma_wait3A_104 = arith.constant 0 : i32
        %dma_wait3A_105 = arith.constant 0 : i32
        %dma_wait3A_106 = tpu.memref_slice %arg5[%dma_wait3A_104, %dma_wait3A_105] : memref<100000x128xf32, #tpu.memory_space<hbm>> -> memref<100000x128xf32, #tpu.memory_space<hbm>>
        tpu.wait_indirect_dma semaphore(%arg20 : memref<!tpu.dma_semaphore, #tpu.memory_space<semaphore_mem>>) src(%dma_wait3A_106 : memref<100000x128xf32, #tpu.memory_space<hbm>>) dst(%dma_wait3A_101 : memref<128x128xf32, #tpu.memory_space<vmem>>)
        %dma_wait3A_107 = arith.constant 128 : i32
        %dma_wait3A_108 = arith.constant 0 : i32
        %dma_wait3A_109 = tpu.memref_slice %arg14[%dma_wait3A_107, %dma_wait3A_108] : memref<256x128xf32, #tpu.memory_space<vmem>> -> memref<128x128xf32, #tpu.memory_space<vmem>>
        %dma_wait3A_110 = arith.constant 0 : i32
        %dma_wait3A_111 = tpu.memref_slice %arg11[%dma_wait3A_110] : memref<512xi32, #tpu.memory_space<vmem>> -> memref<128xi32, #tpu.memory_space<vmem>>
        %dma_wait3A_112 = arith.constant 0 : i32
        %dma_wait3A_113 = arith.constant 0 : i32
        %dma_wait3A_114 = tpu.memref_slice %arg6[%dma_wait3A_112, %dma_wait3A_113] : memref<100000x128xf32, #tpu.memory_space<hbm>> -> memref<100000x128xf32, #tpu.memory_space<hbm>>
        tpu.wait_indirect_dma semaphore(%arg20 : memref<!tpu.dma_semaphore, #tpu.memory_space<semaphore_mem>>) src(%dma_wait3A_114 : memref<100000x128xf32, #tpu.memory_space<hbm>>) dst(%dma_wait3A_109 : memref<128x128xf32, #tpu.memory_space<vmem>>)
        %dma_wait3A_115 = arith.constant 128 : i32
        %dma_wait3A_116 = tpu.memref_slice %arg15[%dma_wait3A_115] : memref<256xf32, #tpu.memory_space<vmem>> -> memref<128xf32, #tpu.memory_space<vmem>>
        %dma_wait3A_117 = arith.constant 0 : i32
        %dma_wait3A_118 = tpu.memref_slice %arg10[%dma_wait3A_117] : memref<512xi32, #tpu.memory_space<vmem>> -> memref<128xi32, #tpu.memory_space<vmem>>
        %dma_wait3A_119 = arith.constant 0 : i32
        %dma_wait3A_120 = tpu.memref_slice %arg7[%dma_wait3A_119] : memref<100000xf32, #tpu.memory_space<hbm>> -> memref<100000xf32, #tpu.memory_space<hbm>>
        tpu.wait_indirect_dma semaphore(%arg20 : memref<!tpu.dma_semaphore, #tpu.memory_space<semaphore_mem>>) src(%dma_wait3A_120 : memref<100000xf32, #tpu.memory_space<hbm>>) dst(%dma_wait3A_116 : memref<128xf32, #tpu.memory_space<vmem>>)
        %dma_wait3A_121 = arith.constant 128 : i32
        %dma_wait3A_122 = tpu.memref_slice %arg16[%dma_wait3A_121] : memref<256xf32, #tpu.memory_space<vmem>> -> memref<128xf32, #tpu.memory_space<vmem>>
        %dma_wait3A_123 = arith.constant 0 : i32
        %dma_wait3A_124 = tpu.memref_slice %arg11[%dma_wait3A_123] : memref<512xi32, #tpu.memory_space<vmem>> -> memref<128xi32, #tpu.memory_space<vmem>>
        %dma_wait3A_125 = arith.constant 0 : i32
        %dma_wait3A_126 = tpu.memref_slice %arg8[%dma_wait3A_125] : memref<100000xf32, #tpu.memory_space<hbm>> -> memref<100000xf32, #tpu.memory_space<hbm>>
        tpu.wait_indirect_dma semaphore(%arg20 : memref<!tpu.dma_semaphore, #tpu.memory_space<semaphore_mem>>) src(%dma_wait3A_126 : memref<100000xf32, #tpu.memory_space<hbm>>) dst(%dma_wait3A_122 : memref<128xf32, #tpu.memory_space<vmem>>)
      } else {
      }
      %add3A_88 = arith.constant 1 : i32
      %add3A_89 = arith.addi %scan3A_72, %add3A_88 : i32
      %lt3A = arith.constant 4 : i32
      %lt3A_90 = arith.cmpi slt, %add3A_89, %lt3A : i32
      %convert_element_type3A_91 = arith.extui %lt3A_90 : i1 to i32
      %cond3A_92 = arith.constant 0 : i32
      %cond3A_93 = arith.cmpi ne, %convert_element_type3A_91, %cond3A_92 : i32
      scf.if %cond3A_93 {
        %eq3A_100 = arith.constant 0 : i32
        %eq3A_101 = arith.cmpi eq, %and3A_75, %eq3A_100 : i32
        %convert_element_type3A_102 = arith.extui %eq3A_101 : i1 to i32
        %cond3A_103 = arith.constant 0 : i32
        %cond3A_104 = arith.cmpi ne, %convert_element_type3A_102, %cond3A_103 : i32
        scf.if %cond3A_104 {
          %add3A_110 = arith.constant 128 : i32
          %add3A_111 = arith.addi %mul3A_77, %add3A_110 : i32
          %dma_start3A_112 = arith.constant 128 : i32
          %dma_start3A_113 = arith.constant 0 : i32
          %dma_start3A_114 = tpu.memref_slice %arg13[%dma_start3A_112, %dma_start3A_113] : memref<256x128xf32, #tpu.memory_space<vmem>> -> memref<128x128xf32, #tpu.memory_space<vmem>>
          %dma_start3A_115 = tpu.memref_slice %arg10[%add3A_111] : memref<512xi32, #tpu.memory_space<vmem>> -> memref<128xi32, #tpu.memory_space<vmem>>
          %dma_start3A_116 = arith.constant 0 : i32
          %dma_start3A_117 = arith.constant 0 : i32
          %dma_start3A_118 = tpu.memref_slice %arg5[%dma_start3A_116, %dma_start3A_117] : memref<100000x128xf32, #tpu.memory_space<hbm>> -> memref<100000x128xf32, #tpu.memory_space<hbm>>
          tpu.enqueue_indirect_dma source(%dma_start3A_118 : memref<100000x128xf32, #tpu.memory_space<hbm>>) target(%dma_start3A_114 : memref<128x128xf32, #tpu.memory_space<vmem>>) offsets(%dma_start3A_115 : memref<128xi32, #tpu.memory_space<vmem>>) semaphore(%arg20 : memref<!tpu.dma_semaphore, #tpu.memory_space<semaphore_mem>>)
          %dma_start3A_119 = arith.constant 128 : i32
          %dma_start3A_120 = arith.constant 0 : i32
          %dma_start3A_121 = tpu.memref_slice %arg14[%dma_start3A_119, %dma_start3A_120] : memref<256x128xf32, #tpu.memory_space<vmem>> -> memref<128x128xf32, #tpu.memory_space<vmem>>
          %dma_start3A_122 = tpu.memref_slice %arg11[%add3A_111] : memref<512xi32, #tpu.memory_space<vmem>> -> memref<128xi32, #tpu.memory_space<vmem>>
          %dma_start3A_123 = arith.constant 0 : i32
          %dma_start3A_124 = arith.constant 0 : i32
          %dma_start3A_125 = tpu.memref_slice %arg6[%dma_start3A_123, %dma_start3A_124] : memref<100000x128xf32, #tpu.memory_space<hbm>> -> memref<100000x128xf32, #tpu.memory_space<hbm>>
          tpu.enqueue_indirect_dma source(%dma_start3A_125 : memref<100000x128xf32, #tpu.memory_space<hbm>>) target(%dma_start3A_121 : memref<128x128xf32, #tpu.memory_space<vmem>>) offsets(%dma_start3A_122 : memref<128xi32, #tpu.memory_space<vmem>>) semaphore(%arg20 : memref<!tpu.dma_semaphore, #tpu.memory_space<semaphore_mem>>)
          %dma_start3A_126 = arith.constant 128 : i32
          %dma_start3A_127 = tpu.memref_slice %arg15[%dma_start3A_126] : memref<256xf32, #tpu.memory_space<vmem>> -> memref<128xf32, #tpu.memory_space<vmem>>
          %dma_start3A_128 = tpu.memref_slice %arg10[%add3A_111] : memref<512xi32, #tpu.memory_space<vmem>> -> memref<128xi32, #tpu.memory_space<vmem>>
          %dma_start3A_129 = arith.constant 0 : i32
          %dma_start3A_130 = tpu.memref_slice %arg7[%dma_start3A_129] : memref<100000xf32, #tpu.memory_space<hbm>> -> memref<100000xf32, #tpu.memory_space<hbm>>
          tpu.enqueue_indirect_dma source(%dma_start3A_130 : memref<100000xf32, #tpu.memory_space<hbm>>) target(%dma_start3A_127 : memref<128xf32, #tpu.memory_space<vmem>>) offsets(%dma_start3A_128 : memref<128xi32, #tpu.memory_space<vmem>>) semaphore(%arg20 : memref<!tpu.dma_semaphore, #tpu.memory_space<semaphore_mem>>)
          %dma_start3A_131 = arith.constant 128 : i32
          %dma_start3A_132 = tpu.memref_slice %arg16[%dma_start3A_131] : memref<256xf32, #tpu.memory_space<vmem>> -> memref<128xf32, #tpu.memory_space<vmem>>
          %dma_start3A_133 = tpu.memref_slice %arg11[%add3A_111] : memref<512xi32, #tpu.memory_space<vmem>> -> memref<128xi32, #tpu.memory_space<vmem>>
          %dma_start3A_134 = arith.constant 0 : i32
          %dma_start3A_135 = tpu.memref_slice %arg8[%dma_start3A_134] : memref<100000xf32, #tpu.memory_space<hbm>> -> memref<100000xf32, #tpu.memory_space<hbm>>
          tpu.enqueue_indirect_dma source(%dma_start3A_135 : memref<100000xf32, #tpu.memory_space<hbm>>) target(%dma_start3A_132 : memref<128xf32, #tpu.memory_space<vmem>>) offsets(%dma_start3A_133 : memref<128xi32, #tpu.memory_space<vmem>>) semaphore(%arg20 : memref<!tpu.dma_semaphore, #tpu.memory_space<semaphore_mem>>)
        } else {
        }
        %eq3A_105 = arith.constant 1 : i32
        %eq3A_106 = arith.cmpi eq, %and3A_75, %eq3A_105 : i32
        %convert_element_type3A_107 = arith.extui %eq3A_106 : i1 to i32
        %cond3A_108 = arith.constant 0 : i32
        %cond3A_109 = arith.cmpi ne, %convert_element_type3A_107, %cond3A_108 : i32
        scf.if %cond3A_109 {
          %add3A_110 = arith.constant 128 : i32
          %add3A_111 = arith.addi %mul3A_77, %add3A_110 : i32
          %dma_start3A_112 = arith.constant 0 : i32
          %dma_start3A_113 = arith.constant 0 : i32
          %dma_start3A_114 = tpu.memref_slice %arg13[%dma_start3A_112, %dma_start3A_113] : memref<256x128xf32, #tpu.memory_space<vmem>> -> memref<128x128xf32, #tpu.memory_space<vmem>>
          %dma_start3A_115 = tpu.memref_slice %arg10[%add3A_111] : memref<512xi32, #tpu.memory_space<vmem>> -> memref<128xi32, #tpu.memory_space<vmem>>
          %dma_start3A_116 = arith.constant 0 : i32
          %dma_start3A_117 = arith.constant 0 : i32
          %dma_start3A_118 = tpu.memref_slice %arg5[%dma_start3A_116, %dma_start3A_117] : memref<100000x128xf32, #tpu.memory_space<hbm>> -> memref<100000x128xf32, #tpu.memory_space<hbm>>
          tpu.enqueue_indirect_dma source(%dma_start3A_118 : memref<100000x128xf32, #tpu.memory_space<hbm>>) target(%dma_start3A_114 : memref<128x128xf32, #tpu.memory_space<vmem>>) offsets(%dma_start3A_115 : memref<128xi32, #tpu.memory_space<vmem>>) semaphore(%arg19 : memref<!tpu.dma_semaphore, #tpu.memory_space<semaphore_mem>>)
          %dma_start3A_119 = arith.constant 0 : i32
          %dma_start3A_120 = arith.constant 0 : i32
          %dma_start3A_121 = tpu.memref_slice %arg14[%dma_start3A_119, %dma_start3A_120] : memref<256x128xf32, #tpu.memory_space<vmem>> -> memref<128x128xf32, #tpu.memory_space<vmem>>
          %dma_start3A_122 = tpu.memref_slice %arg11[%add3A_111] : memref<512xi32, #tpu.memory_space<vmem>> -> memref<128xi32, #tpu.memory_space<vmem>>
          %dma_start3A_123 = arith.constant 0 : i32
          %dma_start3A_124 = arith.constant 0 : i32
          %dma_start3A_125 = tpu.memref_slice %arg6[%dma_start3A_123, %dma_start3A_124] : memref<100000x128xf32, #tpu.memory_space<hbm>> -> memref<100000x128xf32, #tpu.memory_space<hbm>>
          tpu.enqueue_indirect_dma source(%dma_start3A_125 : memref<100000x128xf32, #tpu.memory_space<hbm>>) target(%dma_start3A_121 : memref<128x128xf32, #tpu.memory_space<vmem>>) offsets(%dma_start3A_122 : memref<128xi32, #tpu.memory_space<vmem>>) semaphore(%arg19 : memref<!tpu.dma_semaphore, #tpu.memory_space<semaphore_mem>>)
          %dma_start3A_126 = arith.constant 0 : i32
          %dma_start3A_127 = tpu.memref_slice %arg15[%dma_start3A_126] : memref<256xf32, #tpu.memory_space<vmem>> -> memref<128xf32, #tpu.memory_space<vmem>>
          %dma_start3A_128 = tpu.memref_slice %arg10[%add3A_111] : memref<512xi32, #tpu.memory_space<vmem>> -> memref<128xi32, #tpu.memory_space<vmem>>
          %dma_start3A_129 = arith.constant 0 : i32
          %dma_start3A_130 = tpu.memref_slice %arg7[%dma_start3A_129] : memref<100000xf32, #tpu.memory_space<hbm>> -> memref<100000xf32, #tpu.memory_space<hbm>>
          tpu.enqueue_indirect_dma source(%dma_start3A_130 : memref<100000xf32, #tpu.memory_space<hbm>>) target(%dma_start3A_127 : memref<128xf32, #tpu.memory_space<vmem>>) offsets(%dma_start3A_128 : memref<128xi32, #tpu.memory_space<vmem>>) semaphore(%arg19 : memref<!tpu.dma_semaphore, #tpu.memory_space<semaphore_mem>>)
          %dma_start3A_131 = arith.constant 0 : i32
          %dma_start3A_132 = tpu.memref_slice %arg16[%dma_start3A_131] : memref<256xf32, #tpu.memory_space<vmem>> -> memref<128xf32, #tpu.memory_space<vmem>>
          %dma_start3A_133 = tpu.memref_slice %arg11[%add3A_111] : memref<512xi32, #tpu.memory_space<vmem>> -> memref<128xi32, #tpu.memory_space<vmem>>
          %dma_start3A_134 = arith.constant 0 : i32
          %dma_start3A_135 = tpu.memref_slice %arg8[%dma_start3A_134] : memref<100000xf32, #tpu.memory_space<hbm>> -> memref<100000xf32, #tpu.memory_space<hbm>>
          tpu.enqueue_indirect_dma source(%dma_start3A_135 : memref<100000xf32, #tpu.memory_space<hbm>>) target(%dma_start3A_132 : memref<128xf32, #tpu.memory_space<vmem>>) offsets(%dma_start3A_133 : memref<128xi32, #tpu.memory_space<vmem>>) semaphore(%arg19 : memref<!tpu.dma_semaphore, #tpu.memory_space<semaphore_mem>>)
        } else {
        }
      } else {
      }
      %scan3A_94 = arith.constant 0 : i32
      %scan3A_95 = arith.constant 8 : i32
      %scan3A_96 = arith.addi %scan3A_94, %scan3A_95 : i32
      %scan3A_97 = arith.constant 1 : i32
      %scan3A_98 = scf.for %scan3A_100 = %scan3A_94 to %scan3A_96 step %scan3A_97 iter_args(%scan3A_101 = %scan3A_73) -> (vector<16xf32>)  : i32 {
        %scan3A_102 = arith.constant 0 : i32
        %scan3A_103 = arith.constant 0 : i32
        %scan3A_104 = arith.constant 4 : i32
        %scan3A_105 = arith.addi %scan3A_103, %scan3A_104 : i32
        %scan3A_106 = arith.constant 2 : i32
        scf.for %scan3A_270 = %scan3A_103 to %scan3A_105 step %scan3A_106  : i32 {
          %mul3A_271 = arith.constant 16 : i32
          %mul3A_272 = arith.muli %scan3A_100, %mul3A_271 : i32
          %add3A_273 = arith.addi %mul3A_79, %mul3A_272 : i32
          %mul3A_274 = arith.constant 4 : i32
          %mul3A_275 = arith.muli %mul3A_274, %scan3A_270 : i32
          %add3A_276 = arith.addi %add3A_273, %mul3A_275 : i32
          %get3A_277 = arith.index_cast %add3A_276 : i32 to index
          %get3A_278 = arith.constant 0 : index
          %get3A_279 = tpu.vector_load %arg13[%get3A_277, %get3A_278] {strides = array<i32>} : memref<256x128xf32, #tpu.memory_space<vmem>>, vector<1x16xf32>,
          %get3A_280 = vector.shape_cast %get3A_279 : vector<1x16xf32> to vector<16xf32>
          %get3A_281 = arith.index_cast %add3A_276 : i32 to index
          %get3A_282 = arith.constant 0 : index
          %get3A_283 = tpu.vector_load %arg14[%get3A_281, %get3A_282] {strides = array<i32>} : memref<256x128xf32, #tpu.memory_space<vmem>>, vector<1x16xf32>,
          %get3A_284 = vector.shape_cast %get3A_283 : vector<1x16xf32> to vector<16xf32>
          %mul3A_285 = arith.mulf %get3A_280, %get3A_284 : vector<16xf32>
          %get3A_286 = arith.index_cast %add3A_276 : i32 to index
          %get3A_287 = arith.constant 16 : index
          %get3A_288 = tpu.vector_load %arg13[%get3A_286, %get3A_287] {strides = array<i32>} : memref<256x128xf32, #tpu.memory_space<vmem>>, vector<1x16xf32>,
          %get3A_289 = vector.shape_cast %get3A_288 : vector<1x16xf32> to vector<16xf32>
          %get3A_290 = arith.index_cast %add3A_276 : i32 to index
          %get3A_291 = arith.constant 16 : index
          %get3A_292 = tpu.vector_load %arg14[%get3A_290, %get3A_291] {strides = array<i32>} : memref<256x128xf32, #tpu.memory_space<vmem>>, vector<1x16xf32>,
          %get3A_293 = vector.shape_cast %get3A_292 : vector<1x16xf32> to vector<16xf32>
          %mul3A_294 = arith.mulf %get3A_289, %get3A_293 : vector<16xf32>
          %get3A_295 = arith.index_cast %add3A_276 : i32 to index
          %get3A_296 = arith.constant 32 : index
          %get3A_297 = tpu.vector_load %arg13[%get3A_295, %get3A_296] {strides = array<i32>} : memref<256x128xf32, #tpu.memory_space<vmem>>, vector<1x16xf32>,
          %get3A_298 = vector.shape_cast %get3A_297 : vector<1x16xf32> to vector<16xf32>
          %get3A_299 = arith.index_cast %add3A_276 : i32 to index
          %get3A_300 = arith.constant 32 : index
          %get3A_301 = tpu.vector_load %arg14[%get3A_299, %get3A_300] {strides = array<i32>} : memref<256x128xf32, #tpu.memory_space<vmem>>, vector<1x16xf32>,
          %get3A_302 = vector.shape_cast %get3A_301 : vector<1x16xf32> to vector<16xf32>
          %mul3A_303 = arith.mulf %get3A_298, %get3A_302 : vector<16xf32>
          %get3A_304 = arith.index_cast %add3A_276 : i32 to index
          %get3A_305 = arith.constant 48 : index
          %get3A_306 = tpu.vector_load %arg13[%get3A_304, %get3A_305] {strides = array<i32>} : memref<256x128xf32, #tpu.memory_space<vmem>>, vector<1x16xf32>,
          %get3A_307 = vector.shape_cast %get3A_306 : vector<1x16xf32> to vector<16xf32>
          %get3A_308 = arith.index_cast %add3A_276 : i32 to index
          %get3A_309 = arith.constant 48 : index
          %get3A_310 = tpu.vector_load %arg14[%get3A_308, %get3A_309] {strides = array<i32>} : memref<256x128xf32, #tpu.memory_space<vmem>>, vector<1x16xf32>,
          %get3A_311 = vector.shape_cast %get3A_310 : vector<1x16xf32> to vector<16xf32>
          %mul3A_312 = arith.mulf %get3A_307, %get3A_311 : vector<16xf32>
          %get3A_313 = arith.index_cast %add3A_276 : i32 to index
          %get3A_314 = arith.constant 64 : index
          %get3A_315 = tpu.vector_load %arg13[%get3A_313, %get3A_314] {strides = array<i32>} : memref<256x128xf32, #tpu.memory_space<vmem>>, vector<1x16xf32>,
          %get3A_316 = vector.shape_cast %get3A_315 : vector<1x16xf32> to vector<16xf32>
          %get3A_317 = arith.index_cast %add3A_276 : i32 to index
          %get3A_318 = arith.constant 64 : index
          %get3A_319 = tpu.vector_load %arg14[%get3A_317, %get3A_318] {strides = array<i32>} : memref<256x128xf32, #tpu.memory_space<vmem>>, vector<1x16xf32>,
          %get3A_320 = vector.shape_cast %get3A_319 : vector<1x16xf32> to vector<16xf32>
          %mul3A_321 = arith.mulf %get3A_316, %get3A_320 : vector<16xf32>
          %add3A_322 = arith.addf %mul3A_285, %mul3A_321 : vector<16xf32>
          %get3A_323 = arith.index_cast %add3A_276 : i32 to index
          %get3A_324 = arith.constant 80 : index
          %get3A_325 = tpu.vector_load %arg13[%get3A_323, %get3A_324] {strides = array<i32>} : memref<256x128xf32, #tpu.memory_space<vmem>>, vector<1x16xf32>,
          %get3A_326 = vector.shape_cast %get3A_325 : vector<1x16xf32> to vector<16xf32>
          %get3A_327 = arith.index_cast %add3A_276 : i32 to index
          %get3A_328 = arith.constant 80 : index
          %get3A_329 = tpu.vector_load %arg14[%get3A_327, %get3A_328] {strides = array<i32>} : memref<256x128xf32, #tpu.memory_space<vmem>>, vector<1x16xf32>,
          %get3A_330 = vector.shape_cast %get3A_329 : vector<1x16xf32> to vector<16xf32>
          %mul3A_331 = arith.mulf %get3A_326, %get3A_330 : vector<16xf32>
          %add3A_332 = arith.addf %mul3A_294, %mul3A_331 : vector<16xf32>
          %get3A_333 = arith.index_cast %add3A_276 : i32 to index
          %get3A_334 = arith.constant 96 : index
          %get3A_335 = tpu.vector_load %arg13[%get3A_333, %get3A_334] {strides = array<i32>} : memref<256x128xf32, #tpu.memory_space<vmem>>, vector<1x16xf32>,
          %get3A_336 = vector.shape_cast %get3A_335 : vector<1x16xf32> to vector<16xf32>
          %get3A_337 = arith.index_cast %add3A_276 : i32 to index
          %get3A_338 = arith.constant 96 : index
          %get3A_339 = tpu.vector_load %arg14[%get3A_337, %get3A_338] {strides = array<i32>} : memref<256x128xf32, #tpu.memory_space<vmem>>, vector<1x16xf32>,
          %get3A_340 = vector.shape_cast %get3A_339 : vector<1x16xf32> to vector<16xf32>
          %mul3A_341 = arith.mulf %get3A_336, %get3A_340 : vector<16xf32>
          %add3A_342 = arith.addf %mul3A_303, %mul3A_341 : vector<16xf32>
          %get3A_343 = arith.index_cast %add3A_276 : i32 to index
          %get3A_344 = arith.constant 112 : index
          %get3A_345 = tpu.vector_load %arg13[%get3A_343, %get3A_344] {strides = array<i32>} : memref<256x128xf32, #tpu.memory_space<vmem>>, vector<1x16xf32>,
          %get3A_346 = vector.shape_cast %get3A_345 : vector<1x16xf32> to vector<16xf32>
          %get3A_347 = arith.index_cast %add3A_276 : i32 to index
          %get3A_348 = arith.constant 112 : index
          %get3A_349 = tpu.vector_load %arg14[%get3A_347, %get3A_348] {strides = array<i32>} : memref<256x128xf32, #tpu.memory_space<vmem>>, vector<1x16xf32>,
          %get3A_350 = vector.shape_cast %get3A_349 : vector<1x16xf32> to vector<16xf32>
          %mul3A_351 = arith.mulf %get3A_346, %get3A_350 : vector<16xf32>
          %add3A_352 = arith.addf %mul3A_312, %mul3A_351 : vector<16xf32>
          %add3A_353 = arith.addf %add3A_322, %add3A_332 : vector<16xf32>
          %add3A_354 = arith.addf %add3A_342, %add3A_352 : vector<16xf32>
          %add3A_355 = arith.addf %add3A_353, %add3A_354 : vector<16xf32>
          %add3A_356 = arith.constant 1 : i32
          %add3A_357 = arith.addi %add3A_276, %add3A_356 : i32
          %get3A_358 = arith.index_cast %add3A_357 : i32 to index
          %get3A_359 = arith.constant 0 : index
          %get3A_360 = tpu.vector_load %arg13[%get3A_358, %get3A_359] {strides = array<i32>} : memref<256x128xf32, #tpu.memory_space<vmem>>, vector<1x16xf32>,
          %get3A_361 = vector.shape_cast %get3A_360 : vector<1x16xf32> to vector<16xf32>
          %get3A_362 = arith.index_cast %add3A_357 : i32 to index
          %get3A_363 = arith.constant 0 : index
          %get3A_364 = tpu.vector_load %arg14[%get3A_362, %get3A_363] {strides = array<i32>} : memref<256x128xf32, #tpu.memory_space<vmem>>, vector<1x16xf32>,
          %get3A_365 = vector.shape_cast %get3A_364 : vector<1x16xf32> to vector<16xf32>
          %mul3A_366 = arith.mulf %get3A_361, %get3A_365 : vector<16xf32>
          %get3A_367 = arith.index_cast %add3A_357 : i32 to index
          %get3A_368 = arith.constant 16 : index
          %get3A_369 = tpu.vector_load %arg13[%get3A_367, %get3A_368] {strides = array<i32>} : memref<256x128xf32, #tpu.memory_space<vmem>>, vector<1x16xf32>,
          %get3A_370 = vector.shape_cast %get3A_369 : vector<1x16xf32> to vector<16xf32>
          %get3A_371 = arith.index_cast %add3A_357 : i32 to index
          %get3A_372 = arith.constant 16 : index
          %get3A_373 = tpu.vector_load %arg14[%get3A_371, %get3A_372] {strides = array<i32>} : memref<256x128xf32, #tpu.memory_space<vmem>>, vector<1x16xf32>,
          %get3A_374 = vector.shape_cast %get3A_373 : vector<1x16xf32> to vector<16xf32>
          %mul3A_375 = arith.mulf %get3A_370, %get3A_374 : vector<16xf32>
          %get3A_376 = arith.index_cast %add3A_357 : i32 to index
          %get3A_377 = arith.constant 32 : index
          %get3A_378 = tpu.vector_load %arg13[%get3A_376, %get3A_377] {strides = array<i32>} : memref<256x128xf32, #tpu.memory_space<vmem>>, vector<1x16xf32>,
          %get3A_379 = vector.shape_cast %get3A_378 : vector<1x16xf32> to vector<16xf32>
          %get3A_380 = arith.index_cast %add3A_357 : i32 to index
          %get3A_381 = arith.constant 32 : index
          %get3A_382 = tpu.vector_load %arg14[%get3A_380, %get3A_381] {strides = array<i32>} : memref<256x128xf32, #tpu.memory_space<vmem>>, vector<1x16xf32>,
          %get3A_383 = vector.shape_cast %get3A_382 : vector<1x16xf32> to vector<16xf32>
          %mul3A_384 = arith.mulf %get3A_379, %get3A_383 : vector<16xf32>
          %get3A_385 = arith.index_cast %add3A_357 : i32 to index
          %get3A_386 = arith.constant 48 : index
          %get3A_387 = tpu.vector_load %arg13[%get3A_385, %get3A_386] {strides = array<i32>} : memref<256x128xf32, #tpu.memory_space<vmem>>, vector<1x16xf32>,
          %get3A_388 = vector.shape_cast %get3A_387 : vector<1x16xf32> to vector<16xf32>
          %get3A_389 = arith.index_cast %add3A_357 : i32 to index
          %get3A_390 = arith.constant 48 : index
          %get3A_391 = tpu.vector_load %arg14[%get3A_389, %get3A_390] {strides = array<i32>} : memref<256x128xf32, #tpu.memory_space<vmem>>, vector<1x16xf32>,
          %get3A_392 = vector.shape_cast %get3A_391 : vector<1x16xf32> to vector<16xf32>
          %mul3A_393 = arith.mulf %get3A_388, %get3A_392 : vector<16xf32>
          %get3A_394 = arith.index_cast %add3A_357 : i32 to index
          %get3A_395 = arith.constant 64 : index
          %get3A_396 = tpu.vector_load %arg13[%get3A_394, %get3A_395] {strides = array<i32>} : memref<256x128xf32, #tpu.memory_space<vmem>>, vector<1x16xf32>,
          %get3A_397 = vector.shape_cast %get3A_396 : vector<1x16xf32> to vector<16xf32>
          %get3A_398 = arith.index_cast %add3A_357 : i32 to index
          %get3A_399 = arith.constant 64 : index
          %get3A_400 = tpu.vector_load %arg14[%get3A_398, %get3A_399] {strides = array<i32>} : memref<256x128xf32, #tpu.memory_space<vmem>>, vector<1x16xf32>,
          %get3A_401 = vector.shape_cast %get3A_400 : vector<1x16xf32> to vector<16xf32>
          %mul3A_402 = arith.mulf %get3A_397, %get3A_401 : vector<16xf32>
          %add3A_403 = arith.addf %mul3A_366, %mul3A_402 : vector<16xf32>
          %get3A_404 = arith.index_cast %add3A_357 : i32 to index
          %get3A_405 = arith.constant 80 : index
          %get3A_406 = tpu.vector_load %arg13[%get3A_404, %get3A_405] {strides = array<i32>} : memref<256x128xf32, #tpu.memory_space<vmem>>, vector<1x16xf32>,
          %get3A_407 = vector.shape_cast %get3A_406 : vector<1x16xf32> to vector<16xf32>
          %get3A_408 = arith.index_cast %add3A_357 : i32 to index
          %get3A_409 = arith.constant 80 : index
          %get3A_410 = tpu.vector_load %arg14[%get3A_408, %get3A_409] {strides = array<i32>} : memref<256x128xf32, #tpu.memory_space<vmem>>, vector<1x16xf32>,
          %get3A_411 = vector.shape_cast %get3A_410 : vector<1x16xf32> to vector<16xf32>
          %mul3A_412 = arith.mulf %get3A_407, %get3A_411 : vector<16xf32>
          %add3A_413 = arith.addf %mul3A_375, %mul3A_412 : vector<16xf32>
          %get3A_414 = arith.index_cast %add3A_357 : i32 to index
          %get3A_415 = arith.constant 96 : index
          %get3A_416 = tpu.vector_load %arg13[%get3A_414, %get3A_415] {strides = array<i32>} : memref<256x128xf32, #tpu.memory_space<vmem>>, vector<1x16xf32>,
          %get3A_417 = vector.shape_cast %get3A_416 : vector<1x16xf32> to vector<16xf32>
          %get3A_418 = arith.index_cast %add3A_357 : i32 to index
          %get3A_419 = arith.constant 96 : index
          %get3A_420 = tpu.vector_load %arg14[%get3A_418, %get3A_419] {strides = array<i32>} : memref<256x128xf32, #tpu.memory_space<vmem>>, vector<1x16xf32>,
          %get3A_421 = vector.shape_cast %get3A_420 : vector<1x16xf32> to vector<16xf32>
          %mul3A_422 = arith.mulf %get3A_417, %get3A_421 : vector<16xf32>
          %add3A_423 = arith.addf %mul3A_384, %mul3A_422 : vector<16xf32>
          %get3A_424 = arith.index_cast %add3A_357 : i32 to index
          %get3A_425 = arith.constant 112 : index
          %get3A_426 = tpu.vector_load %arg13[%get3A_424, %get3A_425] {strides = array<i32>} : memref<256x128xf32, #tpu.memory_space<vmem>>, vector<1x16xf32>,
          %get3A_427 = vector.shape_cast %get3A_426 : vector<1x16xf32> to vector<16xf32>
          %get3A_428 = arith.index_cast %add3A_357 : i32 to index
          %get3A_429 = arith.constant 112 : index
          %get3A_430 = tpu.vector_load %arg14[%get3A_428, %get3A_429] {strides = array<i32>} : memref<256x128xf32, #tpu.memory_space<vmem>>, vector<1x16xf32>,
          %get3A_431 = vector.shape_cast %get3A_430 : vector<1x16xf32> to vector<16xf32>
          %mul3A_432 = arith.mulf %get3A_427, %get3A_431 : vector<16xf32>
          %add3A_433 = arith.addf %mul3A_393, %mul3A_432 : vector<16xf32>
          %add3A_434 = arith.addf %add3A_403, %add3A_413 : vector<16xf32>
          %add3A_435 = arith.addf %add3A_423, %add3A_433 : vector<16xf32>
          %add3A_436 = arith.addf %add3A_434, %add3A_435 : vector<16xf32>
          %broadcast_in_dim3A_437 = vector.shape_cast %xor3A_4 : vector<16xi32> to vector<16x1xi32>
          %gather3A_438 = vector.shape_cast %broadcast_in_dim3A_437 : vector<16x1xi32> to vector<16xi32>
          %gather3A_439 = tpu.dynamic_gather %add3A_355[%gather3A_438] in [0] : vector<16xf32>, vector<16xi32> -> vector<16xf32>
          %broadcast_in_dim3A_440 = vector.shape_cast %xor3A_4 : vector<16xi32> to vector<16x1xi32>
          %gather3A_441 = vector.shape_cast %broadcast_in_dim3A_440 : vector<16x1xi32> to vector<16xi32>
          %gather3A_442 = tpu.dynamic_gather %add3A_436[%gather3A_441] in [0] : vector<16xf32>, vector<16xi32> -> vector<16xf32>
          %select_n3A_443 = arith.select %eq3A_8, %add3A_355, %gather3A_442 : vector<16xi1>, vector<16xf32>
          %select_n3A_444 = arith.select %eq3A_8, %gather3A_439, %add3A_436 : vector<16xi1>, vector<16xf32>
          %add3A_445 = arith.addf %select_n3A_443, %select_n3A_444 : vector<16xf32>
          %add3A_446 = arith.constant 2 : i32
          %add3A_447 = arith.addi %add3A_276, %add3A_446 : i32
          %get3A_448 = arith.index_cast %add3A_447 : i32 to index
          %get3A_449 = arith.constant 0 : index
          %get3A_450 = tpu.vector_load %arg13[%get3A_448, %get3A_449] {strides = array<i32>} : memref<256x128xf32, #tpu.memory_space<vmem>>, vector<1x16xf32>,
          %get3A_451 = vector.shape_cast %get3A_450 : vector<1x16xf32> to vector<16xf32>
          %get3A_452 = arith.index_cast %add3A_447 : i32 to index
          %get3A_453 = arith.constant 0 : index
          %get3A_454 = tpu.vector_load %arg14[%get3A_452, %get3A_453] {strides = array<i32>} : memref<256x128xf32, #tpu.memory_space<vmem>>, vector<1x16xf32>,
          %get3A_455 = vector.shape_cast %get3A_454 : vector<1x16xf32> to vector<16xf32>
          %mul3A_456 = arith.mulf %get3A_451, %get3A_455 : vector<16xf32>
          %get3A_457 = arith.index_cast %add3A_447 : i32 to index
          %get3A_458 = arith.constant 16 : index
          %get3A_459 = tpu.vector_load %arg13[%get3A_457, %get3A_458] {strides = array<i32>} : memref<256x128xf32, #tpu.memory_space<vmem>>, vector<1x16xf32>,
          %get3A_460 = vector.shape_cast %get3A_459 : vector<1x16xf32> to vector<16xf32>
          %get3A_461 = arith.index_cast %add3A_447 : i32 to index
          %get3A_462 = arith.constant 16 : index
          %get3A_463 = tpu.vector_load %arg14[%get3A_461, %get3A_462] {strides = array<i32>} : memref<256x128xf32, #tpu.memory_space<vmem>>, vector<1x16xf32>,
          %get3A_464 = vector.shape_cast %get3A_463 : vector<1x16xf32> to vector<16xf32>
          %mul3A_465 = arith.mulf %get3A_460, %get3A_464 : vector<16xf32>
          %get3A_466 = arith.index_cast %add3A_447 : i32 to index
          %get3A_467 = arith.constant 32 : index
          %get3A_468 = tpu.vector_load %arg13[%get3A_466, %get3A_467] {strides = array<i32>} : memref<256x128xf32, #tpu.memory_space<vmem>>, vector<1x16xf32>,
          %get3A_469 = vector.shape_cast %get3A_468 : vector<1x16xf32> to vector<16xf32>
          %get3A_470 = arith.index_cast %add3A_447 : i32 to index
          %get3A_471 = arith.constant 32 : index
          %get3A_472 = tpu.vector_load %arg14[%get3A_470, %get3A_471] {strides = array<i32>} : memref<256x128xf32, #tpu.memory_space<vmem>>, vector<1x16xf32>,
          %get3A_473 = vector.shape_cast %get3A_472 : vector<1x16xf32> to vector<16xf32>
          %mul3A_474 = arith.mulf %get3A_469, %get3A_473 : vector<16xf32>
          %get3A_475 = arith.index_cast %add3A_447 : i32 to index
          %get3A_476 = arith.constant 48 : index
          %get3A_477 = tpu.vector_load %arg13[%get3A_475, %get3A_476] {strides = array<i32>} : memref<256x128xf32, #tpu.memory_space<vmem>>, vector<1x16xf32>,
          %get3A_478 = vector.shape_cast %get3A_477 : vector<1x16xf32> to vector<16xf32>
          %get3A_479 = arith.index_cast %add3A_447 : i32 to index
          %get3A_480 = arith.constant 48 : index
          %get3A_481 = tpu.vector_load %arg14[%get3A_479, %get3A_480] {strides = array<i32>} : memref<256x128xf32, #tpu.memory_space<vmem>>, vector<1x16xf32>,
          %get3A_482 = vector.shape_cast %get3A_481 : vector<1x16xf32> to vector<16xf32>
          %mul3A_483 = arith.mulf %get3A_478, %get3A_482 : vector<16xf32>
          %get3A_484 = arith.index_cast %add3A_447 : i32 to index
          %get3A_485 = arith.constant 64 : index
          %get3A_486 = tpu.vector_load %arg13[%get3A_484, %get3A_485] {strides = array<i32>} : memref<256x128xf32, #tpu.memory_space<vmem>>, vector<1x16xf32>,
          %get3A_487 = vector.shape_cast %get3A_486 : vector<1x16xf32> to vector<16xf32>
          %get3A_488 = arith.index_cast %add3A_447 : i32 to index
          %get3A_489 = arith.constant 64 : index
          %get3A_490 = tpu.vector_load %arg14[%get3A_488, %get3A_489] {strides = array<i32>} : memref<256x128xf32, #tpu.memory_space<vmem>>, vector<1x16xf32>,
          %get3A_491 = vector.shape_cast %get3A_490 : vector<1x16xf32> to vector<16xf32>
          %mul3A_492 = arith.mulf %get3A_487, %get3A_491 : vector<16xf32>
          %add3A_493 = arith.addf %mul3A_456, %mul3A_492 : vector<16xf32>
          %get3A_494 = arith.index_cast %add3A_447 : i32 to index
          %get3A_495 = arith.constant 80 : index
          %get3A_496 = tpu.vector_load %arg13[%get3A_494, %get3A_495] {strides = array<i32>} : memref<256x128xf32, #tpu.memory_space<vmem>>, vector<1x16xf32>,
          %get3A_497 = vector.shape_cast %get3A_496 : vector<1x16xf32> to vector<16xf32>
          %get3A_498 = arith.index_cast %add3A_447 : i32 to index
          %get3A_499 = arith.constant 80 : index
          %get3A_500 = tpu.vector_load %arg14[%get3A_498, %get3A_499] {strides = array<i32>} : memref<256x128xf32, #tpu.memory_space<vmem>>, vector<1x16xf32>,
          %get3A_501 = vector.shape_cast %get3A_500 : vector<1x16xf32> to vector<16xf32>
          %mul3A_502 = arith.mulf %get3A_497, %get3A_501 : vector<16xf32>
          %add3A_503 = arith.addf %mul3A_465, %mul3A_502 : vector<16xf32>
          %get3A_504 = arith.index_cast %add3A_447 : i32 to index
          %get3A_505 = arith.constant 96 : index
          %get3A_506 = tpu.vector_load %arg13[%get3A_504, %get3A_505] {strides = array<i32>} : memref<256x128xf32, #tpu.memory_space<vmem>>, vector<1x16xf32>,
          %get3A_507 = vector.shape_cast %get3A_506 : vector<1x16xf32> to vector<16xf32>
          %get3A_508 = arith.index_cast %add3A_447 : i32 to index
          %get3A_509 = arith.constant 96 : index
          %get3A_510 = tpu.vector_load %arg14[%get3A_508, %get3A_509] {strides = array<i32>} : memref<256x128xf32, #tpu.memory_space<vmem>>, vector<1x16xf32>,
          %get3A_511 = vector.shape_cast %get3A_510 : vector<1x16xf32> to vector<16xf32>
          %mul3A_512 = arith.mulf %get3A_507, %get3A_511 : vector<16xf32>
          %add3A_513 = arith.addf %mul3A_474, %mul3A_512 : vector<16xf32>
          %get3A_514 = arith.index_cast %add3A_447 : i32 to index
          %get3A_515 = arith.constant 112 : index
          %get3A_516 = tpu.vector_load %arg13[%get3A_514, %get3A_515] {strides = array<i32>} : memref<256x128xf32, #tpu.memory_space<vmem>>, vector<1x16xf32>,
          %get3A_517 = vector.shape_cast %get3A_516 : vector<1x16xf32> to vector<16xf32>
          %get3A_518 = arith.index_cast %add3A_447 : i32 to index
          %get3A_519 = arith.constant 112 : index
          %get3A_520 = tpu.vector_load %arg14[%get3A_518, %get3A_519] {strides = array<i32>} : memref<256x128xf32, #tpu.memory_space<vmem>>, vector<1x16xf32>,
          %get3A_521 = vector.shape_cast %get3A_520 : vector<1x16xf32> to vector<16xf32>
          %mul3A_522 = arith.mulf %get3A_517, %get3A_521 : vector<16xf32>
          %add3A_523 = arith.addf %mul3A_483, %mul3A_522 : vector<16xf32>
          %add3A_524 = arith.addf %add3A_493, %add3A_503 : vector<16xf32>
          %add3A_525 = arith.addf %add3A_513, %add3A_523 : vector<16xf32>
          %add3A_526 = arith.addf %add3A_524, %add3A_525 : vector<16xf32>
          %add3A_527 = arith.constant 3 : i32
          %add3A_528 = arith.addi %add3A_276, %add3A_527 : i32
          %get3A_529 = arith.index_cast %add3A_528 : i32 to index
          %get3A_530 = arith.constant 0 : index
          %get3A_531 = tpu.vector_load %arg13[%get3A_529, %get3A_530] {strides = array<i32>} : memref<256x128xf32, #tpu.memory_space<vmem>>, vector<1x16xf32>,
          %get3A_532 = vector.shape_cast %get3A_531 : vector<1x16xf32> to vector<16xf32>
          %get3A_533 = arith.index_cast %add3A_528 : i32 to index
          %get3A_534 = arith.constant 0 : index
          %get3A_535 = tpu.vector_load %arg14[%get3A_533, %get3A_534] {strides = array<i32>} : memref<256x128xf32, #tpu.memory_space<vmem>>, vector<1x16xf32>,
          %get3A_536 = vector.shape_cast %get3A_535 : vector<1x16xf32> to vector<16xf32>
          %mul3A_537 = arith.mulf %get3A_532, %get3A_536 : vector<16xf32>
          %get3A_538 = arith.index_cast %add3A_528 : i32 to index
          %get3A_539 = arith.constant 16 : index
          %get3A_540 = tpu.vector_load %arg13[%get3A_538, %get3A_539] {strides = array<i32>} : memref<256x128xf32, #tpu.memory_space<vmem>>, vector<1x16xf32>,
          %get3A_541 = vector.shape_cast %get3A_540 : vector<1x16xf32> to vector<16xf32>
          %get3A_542 = arith.index_cast %add3A_528 : i32 to index
          %get3A_543 = arith.constant 16 : index
          %get3A_544 = tpu.vector_load %arg14[%get3A_542, %get3A_543] {strides = array<i32>} : memref<256x128xf32, #tpu.memory_space<vmem>>, vector<1x16xf32>,
          %get3A_545 = vector.shape_cast %get3A_544 : vector<1x16xf32> to vector<16xf32>
          %mul3A_546 = arith.mulf %get3A_541, %get3A_545 : vector<16xf32>
          %get3A_547 = arith.index_cast %add3A_528 : i32 to index
          %get3A_548 = arith.constant 32 : index
          %get3A_549 = tpu.vector_load %arg13[%get3A_547, %get3A_548] {strides = array<i32>} : memref<256x128xf32, #tpu.memory_space<vmem>>, vector<1x16xf32>,
          %get3A_550 = vector.shape_cast %get3A_549 : vector<1x16xf32> to vector<16xf32>
          %get3A_551 = arith.index_cast %add3A_528 : i32 to index
          %get3A_552 = arith.constant 32 : index
          %get3A_553 = tpu.vector_load %arg14[%get3A_551, %get3A_552] {strides = array<i32>} : memref<256x128xf32, #tpu.memory_space<vmem>>, vector<1x16xf32>,
          %get3A_554 = vector.shape_cast %get3A_553 : vector<1x16xf32> to vector<16xf32>
          %mul3A_555 = arith.mulf %get3A_550, %get3A_554 : vector<16xf32>
          %get3A_556 = arith.index_cast %add3A_528 : i32 to index
          %get3A_557 = arith.constant 48 : index
          %get3A_558 = tpu.vector_load %arg13[%get3A_556, %get3A_557] {strides = array<i32>} : memref<256x128xf32, #tpu.memory_space<vmem>>, vector<1x16xf32>,
          %get3A_559 = vector.shape_cast %get3A_558 : vector<1x16xf32> to vector<16xf32>
          %get3A_560 = arith.index_cast %add3A_528 : i32 to index
          %get3A_561 = arith.constant 48 : index
          %get3A_562 = tpu.vector_load %arg14[%get3A_560, %get3A_561] {strides = array<i32>} : memref<256x128xf32, #tpu.memory_space<vmem>>, vector<1x16xf32>,
          %get3A_563 = vector.shape_cast %get3A_562 : vector<1x16xf32> to vector<16xf32>
          %mul3A_564 = arith.mulf %get3A_559, %get3A_563 : vector<16xf32>
          %get3A_565 = arith.index_cast %add3A_528 : i32 to index
          %get3A_566 = arith.constant 64 : index
          %get3A_567 = tpu.vector_load %arg13[%get3A_565, %get3A_566] {strides = array<i32>} : memref<256x128xf32, #tpu.memory_space<vmem>>, vector<1x16xf32>,
          %get3A_568 = vector.shape_cast %get3A_567 : vector<1x16xf32> to vector<16xf32>
          %get3A_569 = arith.index_cast %add3A_528 : i32 to index
          %get3A_570 = arith.constant 64 : index
          %get3A_571 = tpu.vector_load %arg14[%get3A_569, %get3A_570] {strides = array<i32>} : memref<256x128xf32, #tpu.memory_space<vmem>>, vector<1x16xf32>,
          %get3A_572 = vector.shape_cast %get3A_571 : vector<1x16xf32> to vector<16xf32>
          %mul3A_573 = arith.mulf %get3A_568, %get3A_572 : vector<16xf32>
          %add3A_574 = arith.addf %mul3A_537, %mul3A_573 : vector<16xf32>
          %get3A_575 = arith.index_cast %add3A_528 : i32 to index
          %get3A_576 = arith.constant 80 : index
          %get3A_577 = tpu.vector_load %arg13[%get3A_575, %get3A_576] {strides = array<i32>} : memref<256x128xf32, #tpu.memory_space<vmem>>, vector<1x16xf32>,
          %get3A_578 = vector.shape_cast %get3A_577 : vector<1x16xf32> to vector<16xf32>
          %get3A_579 = arith.index_cast %add3A_528 : i32 to index
          %get3A_580 = arith.constant 80 : index
          %get3A_581 = tpu.vector_load %arg14[%get3A_579, %get3A_580] {strides = array<i32>} : memref<256x128xf32, #tpu.memory_space<vmem>>, vector<1x16xf32>,
          %get3A_582 = vector.shape_cast %get3A_581 : vector<1x16xf32> to vector<16xf32>
          %mul3A_583 = arith.mulf %get3A_578, %get3A_582 : vector<16xf32>
          %add3A_584 = arith.addf %mul3A_546, %mul3A_583 : vector<16xf32>
          %get3A_585 = arith.index_cast %add3A_528 : i32 to index
          %get3A_586 = arith.constant 96 : index
          %get3A_587 = tpu.vector_load %arg13[%get3A_585, %get3A_586] {strides = array<i32>} : memref<256x128xf32, #tpu.memory_space<vmem>>, vector<1x16xf32>,
          %get3A_588 = vector.shape_cast %get3A_587 : vector<1x16xf32> to vector<16xf32>
          %get3A_589 = arith.index_cast %add3A_528 : i32 to index
          %get3A_590 = arith.constant 96 : index
          %get3A_591 = tpu.vector_load %arg14[%get3A_589, %get3A_590] {strides = array<i32>} : memref<256x128xf32, #tpu.memory_space<vmem>>, vector<1x16xf32>,
          %get3A_592 = vector.shape_cast %get3A_591 : vector<1x16xf32> to vector<16xf32>
          %mul3A_593 = arith.mulf %get3A_588, %get3A_592 : vector<16xf32>
          %add3A_594 = arith.addf %mul3A_555, %mul3A_593 : vector<16xf32>
          %get3A_595 = arith.index_cast %add3A_528 : i32 to index
          %get3A_596 = arith.constant 112 : index
          %get3A_597 = tpu.vector_load %arg13[%get3A_595, %get3A_596] {strides = array<i32>} : memref<256x128xf32, #tpu.memory_space<vmem>>, vector<1x16xf32>,
          %get3A_598 = vector.shape_cast %get3A_597 : vector<1x16xf32> to vector<16xf32>
          %get3A_599 = arith.index_cast %add3A_528 : i32 to index
          %get3A_600 = arith.constant 112 : index
          %get3A_601 = tpu.vector_load %arg14[%get3A_599, %get3A_600] {strides = array<i32>} : memref<256x128xf32, #tpu.memory_space<vmem>>, vector<1x16xf32>,
          %get3A_602 = vector.shape_cast %get3A_601 : vector<1x16xf32> to vector<16xf32>
          %mul3A_603 = arith.mulf %get3A_598, %get3A_602 : vector<16xf32>
          %add3A_604 = arith.addf %mul3A_564, %mul3A_603 : vector<16xf32>
          %add3A_605 = arith.addf %add3A_574, %add3A_584 : vector<16xf32>
          %add3A_606 = arith.addf %add3A_594, %add3A_604 : vector<16xf32>
          %add3A_607 = arith.addf %add3A_605, %add3A_606 : vector<16xf32>
          %broadcast_in_dim3A_608 = vector.shape_cast %xor3A_4 : vector<16xi32> to vector<16x1xi32>
          %gather3A_609 = vector.shape_cast %broadcast_in_dim3A_608 : vector<16x1xi32> to vector<16xi32>
          %gather3A_610 = tpu.dynamic_gather %add3A_526[%gather3A_609] in [0] : vector<16xf32>, vector<16xi32> -> vector<16xf32>
          %broadcast_in_dim3A_611 = vector.shape_cast %xor3A_4 : vector<16xi32> to vector<16x1xi32>
          %gather3A_612 = vector.shape_cast %broadcast_in_dim3A_611 : vector<16x1xi32> to vector<16xi32>
          %gather3A_613 = tpu.dynamic_gather %add3A_607[%gather3A_612] in [0] : vector<16xf32>, vector<16xi32> -> vector<16xf32>
          %select_n3A_614 = arith.select %eq3A_8, %add3A_526, %gather3A_613 : vector<16xi1>, vector<16xf32>
          %select_n3A_615 = arith.select %eq3A_8, %gather3A_610, %add3A_607 : vector<16xi1>, vector<16xf32>
          %add3A_616 = arith.addf %select_n3A_614, %select_n3A_615 : vector<16xf32>
          %broadcast_in_dim3A_617 = vector.shape_cast %xor3A_11 : vector<16xi32> to vector<16x1xi32>
          %gather3A_618 = vector.shape_cast %broadcast_in_dim3A_617 : vector<16x1xi32> to vector<16xi32>
          %gather3A_619 = tpu.dynamic_gather %add3A_445[%gather3A_618] in [0] : vector<16xf32>, vector<16xi32> -> vector<16xf32>
          %broadcast_in_dim3A_620 = vector.shape_cast %xor3A_11 : vector<16xi32> to vector<16x1xi32>
          %gather3A_621 = vector.shape_cast %broadcast_in_dim3A_620 : vector<16x1xi32> to vector<16xi32>
          %gather3A_622 = tpu.dynamic_gather %add3A_616[%gather3A_621] in [0] : vector<16xf32>, vector<16xi32> -> vector<16xf32>
          %select_n3A_623 = arith.select %eq3A_17, %add3A_445, %gather3A_622 : vector<16xi1>, vector<16xf32>
          %select_n3A_624 = arith.select %eq3A_17, %gather3A_619, %add3A_616 : vector<16xi1>, vector<16xf32>
          %add3A_625 = arith.addf %select_n3A_623, %select_n3A_624 : vector<16xf32>
          %mul3A_626 = arith.constant 16 : i32
          %mul3A_627 = arith.muli %scan3A_270, %mul3A_626 : i32
          %swap3A_628 = arith.index_cast %mul3A_627 : i32 to index
          %swap3A_629 = tpu.vector_load %arg17[%swap3A_628] {strides = array<i32>} : memref<256xf32, #tpu.memory_space<vmem>>, vector<16xf32>,
          %swap3A_630 = vector.shape_cast %swap3A_629 : vector<16xf32> to vector<16xf32>
          %swap3A_631 = vector.shape_cast %add3A_625 : vector<16xf32> to vector<16xf32>
          tpu.vector_store %arg17[%swap3A_628], %swap3A_631 {strides = array<i32>} : memref<256xf32, #tpu.memory_space<vmem>>, vector<16xf32>,
          %scan3A_632 = arith.constant 1 : i32
          %scan3A_633 = arith.addi %scan3A_270, %scan3A_632 : i32
          %mul3A_634 = arith.constant 16 : i32
          %mul3A_635 = arith.muli %scan3A_100, %mul3A_634 : i32
          %add3A_636 = arith.addi %mul3A_79, %mul3A_635 : i32
          %mul3A_637 = arith.constant 4 : i32
          %mul3A_638 = arith.muli %mul3A_637, %scan3A_633 : i32
          %add3A_639 = arith.addi %add3A_636, %mul3A_638 : i32
          %get3A_640 = arith.index_cast %add3A_639 : i32 to index
          %get3A_641 = arith.constant 0 : index
          %get3A_642 = tpu.vector_load %arg13[%get3A_640, %get3A_641] {strides = array<i32>} : memref<256x128xf32, #tpu.memory_space<vmem>>, vector<1x16xf32>,
          %get3A_643 = vector.shape_cast %get3A_642 : vector<1x16xf32> to vector<16xf32>
          %get3A_644 = arith.index_cast %add3A_639 : i32 to index
          %get3A_645 = arith.constant 0 : index
          %get3A_646 = tpu.vector_load %arg14[%get3A_644, %get3A_645] {strides = array<i32>} : memref<256x128xf32, #tpu.memory_space<vmem>>, vector<1x16xf32>,
          %get3A_647 = vector.shape_cast %get3A_646 : vector<1x16xf32> to vector<16xf32>
          %mul3A_648 = arith.mulf %get3A_643, %get3A_647 : vector<16xf32>
          %get3A_649 = arith.index_cast %add3A_639 : i32 to index
          %get3A_650 = arith.constant 16 : index
          %get3A_651 = tpu.vector_load %arg13[%get3A_649, %get3A_650] {strides = array<i32>} : memref<256x128xf32, #tpu.memory_space<vmem>>, vector<1x16xf32>,
          %get3A_652 = vector.shape_cast %get3A_651 : vector<1x16xf32> to vector<16xf32>
          %get3A_653 = arith.index_cast %add3A_639 : i32 to index
          %get3A_654 = arith.constant 16 : index
          %get3A_655 = tpu.vector_load %arg14[%get3A_653, %get3A_654] {strides = array<i32>} : memref<256x128xf32, #tpu.memory_space<vmem>>, vector<1x16xf32>,
          %get3A_656 = vector.shape_cast %get3A_655 : vector<1x16xf32> to vector<16xf32>
          %mul3A_657 = arith.mulf %get3A_652, %get3A_656 : vector<16xf32>
          %get3A_658 = arith.index_cast %add3A_639 : i32 to index
          %get3A_659 = arith.constant 32 : index
          %get3A_660 = tpu.vector_load %arg13[%get3A_658, %get3A_659] {strides = array<i32>} : memref<256x128xf32, #tpu.memory_space<vmem>>, vector<1x16xf32>,
          %get3A_661 = vector.shape_cast %get3A_660 : vector<1x16xf32> to vector<16xf32>
          %get3A_662 = arith.index_cast %add3A_639 : i32 to index
          %get3A_663 = arith.constant 32 : index
          %get3A_664 = tpu.vector_load %arg14[%get3A_662, %get3A_663] {strides = array<i32>} : memref<256x128xf32, #tpu.memory_space<vmem>>, vector<1x16xf32>,
          %get3A_665 = vector.shape_cast %get3A_664 : vector<1x16xf32> to vector<16xf32>
          %mul3A_666 = arith.mulf %get3A_661, %get3A_665 : vector<16xf32>
          %get3A_667 = arith.index_cast %add3A_639 : i32 to index
          %get3A_668 = arith.constant 48 : index
          %get3A_669 = tpu.vector_load %arg13[%get3A_667, %get3A_668] {strides = array<i32>} : memref<256x128xf32, #tpu.memory_space<vmem>>, vector<1x16xf32>,
          %get3A_670 = vector.shape_cast %get3A_669 : vector<1x16xf32> to vector<16xf32>
          %get3A_671 = arith.index_cast %add3A_639 : i32 to index
          %get3A_672 = arith.constant 48 : index
          %get3A_673 = tpu.vector_load %arg14[%get3A_671, %get3A_672] {strides = array<i32>} : memref<256x128xf32, #tpu.memory_space<vmem>>, vector<1x16xf32>,
          %get3A_674 = vector.shape_cast %get3A_673 : vector<1x16xf32> to vector<16xf32>
          %mul3A_675 = arith.mulf %get3A_670, %get3A_674 : vector<16xf32>
          %get3A_676 = arith.index_cast %add3A_639 : i32 to index
          %get3A_677 = arith.constant 64 : index
          %get3A_678 = tpu.vector_load %arg13[%get3A_676, %get3A_677] {strides = array<i32>} : memref<256x128xf32, #tpu.memory_space<vmem>>, vector<1x16xf32>,
          %get3A_679 = vector.shape_cast %get3A_678 : vector<1x16xf32> to vector<16xf32>
          %get3A_680 = arith.index_cast %add3A_639 : i32 to index
          %get3A_681 = arith.constant 64 : index
          %get3A_682 = tpu.vector_load %arg14[%get3A_680, %get3A_681] {strides = array<i32>} : memref<256x128xf32, #tpu.memory_space<vmem>>, vector<1x16xf32>,
          %get3A_683 = vector.shape_cast %get3A_682 : vector<1x16xf32> to vector<16xf32>
          %mul3A_684 = arith.mulf %get3A_679, %get3A_683 : vector<16xf32>
          %add3A_685 = arith.addf %mul3A_648, %mul3A_684 : vector<16xf32>
          %get3A_686 = arith.index_cast %add3A_639 : i32 to index
          %get3A_687 = arith.constant 80 : index
          %get3A_688 = tpu.vector_load %arg13[%get3A_686, %get3A_687] {strides = array<i32>} : memref<256x128xf32, #tpu.memory_space<vmem>>, vector<1x16xf32>,
          %get3A_689 = vector.shape_cast %get3A_688 : vector<1x16xf32> to vector<16xf32>
          %get3A_690 = arith.index_cast %add3A_639 : i32 to index
          %get3A_691 = arith.constant 80 : index
          %get3A_692 = tpu.vector_load %arg14[%get3A_690, %get3A_691] {strides = array<i32>} : memref<256x128xf32, #tpu.memory_space<vmem>>, vector<1x16xf32>,
          %get3A_693 = vector.shape_cast %get3A_692 : vector<1x16xf32> to vector<16xf32>
          %mul3A_694 = arith.mulf %get3A_689, %get3A_693 : vector<16xf32>
          %add3A_695 = arith.addf %mul3A_657, %mul3A_694 : vector<16xf32>
          %get3A_696 = arith.index_cast %add3A_639 : i32 to index
          %get3A_697 = arith.constant 96 : index
          %get3A_698 = tpu.vector_load %arg13[%get3A_696, %get3A_697] {strides = array<i32>} : memref<256x128xf32, #tpu.memory_space<vmem>>, vector<1x16xf32>,
          %get3A_699 = vector.shape_cast %get3A_698 : vector<1x16xf32> to vector<16xf32>
          %get3A_700 = arith.index_cast %add3A_639 : i32 to index
          %get3A_701 = arith.constant 96 : index
          %get3A_702 = tpu.vector_load %arg14[%get3A_700, %get3A_701] {strides = array<i32>} : memref<256x128xf32, #tpu.memory_space<vmem>>, vector<1x16xf32>,
          %get3A_703 = vector.shape_cast %get3A_702 : vector<1x16xf32> to vector<16xf32>
          %mul3A_704 = arith.mulf %get3A_699, %get3A_703 : vector<16xf32>
          %add3A_705 = arith.addf %mul3A_666, %mul3A_704 : vector<16xf32>
          %get3A_706 = arith.index_cast %add3A_639 : i32 to index
          %get3A_707 = arith.constant 112 : index
          %get3A_708 = tpu.vector_load %arg13[%get3A_706, %get3A_707] {strides = array<i32>} : memref<256x128xf32, #tpu.memory_space<vmem>>, vector<1x16xf32>,
          %get3A_709 = vector.shape_cast %get3A_708 : vector<1x16xf32> to vector<16xf32>
          %get3A_710 = arith.index_cast %add3A_639 : i32 to index
          %get3A_711 = arith.constant 112 : index
          %get3A_712 = tpu.vector_load %arg14[%get3A_710, %get3A_711] {strides = array<i32>} : memref<256x128xf32, #tpu.memory_space<vmem>>, vector<1x16xf32>,
          %get3A_713 = vector.shape_cast %get3A_712 : vector<1x16xf32> to vector<16xf32>
          %mul3A_714 = arith.mulf %get3A_709, %get3A_713 : vector<16xf32>
          %add3A_715 = arith.addf %mul3A_675, %mul3A_714 : vector<16xf32>
          %add3A_716 = arith.addf %add3A_685, %add3A_695 : vector<16xf32>
          %add3A_717 = arith.addf %add3A_705, %add3A_715 : vector<16xf32>
          %add3A_718 = arith.addf %add3A_716, %add3A_717 : vector<16xf32>
          %add3A_719 = arith.constant 1 : i32
          %add3A_720 = arith.addi %add3A_639, %add3A_719 : i32
          %get3A_721 = arith.index_cast %add3A_720 : i32 to index
          %get3A_722 = arith.constant 0 : index
          %get3A_723 = tpu.vector_load %arg13[%get3A_721, %get3A_722] {strides = array<i32>} : memref<256x128xf32, #tpu.memory_space<vmem>>, vector<1x16xf32>,
          %get3A_724 = vector.shape_cast %get3A_723 : vector<1x16xf32> to vector<16xf32>
          %get3A_725 = arith.index_cast %add3A_720 : i32 to index
          %get3A_726 = arith.constant 0 : index
          %get3A_727 = tpu.vector_load %arg14[%get3A_725, %get3A_726] {strides = array<i32>} : memref<256x128xf32, #tpu.memory_space<vmem>>, vector<1x16xf32>,
          %get3A_728 = vector.shape_cast %get3A_727 : vector<1x16xf32> to vector<16xf32>
          %mul3A_729 = arith.mulf %get3A_724, %get3A_728 : vector<16xf32>
          %get3A_730 = arith.index_cast %add3A_720 : i32 to index
          %get3A_731 = arith.constant 16 : index
          %get3A_732 = tpu.vector_load %arg13[%get3A_730, %get3A_731] {strides = array<i32>} : memref<256x128xf32, #tpu.memory_space<vmem>>, vector<1x16xf32>,
          %get3A_733 = vector.shape_cast %get3A_732 : vector<1x16xf32> to vector<16xf32>
          %get3A_734 = arith.index_cast %add3A_720 : i32 to index
          %get3A_735 = arith.constant 16 : index
          %get3A_736 = tpu.vector_load %arg14[%get3A_734, %get3A_735] {strides = array<i32>} : memref<256x128xf32, #tpu.memory_space<vmem>>, vector<1x16xf32>,
          %get3A_737 = vector.shape_cast %get3A_736 : vector<1x16xf32> to vector<16xf32>
          %mul3A_738 = arith.mulf %get3A_733, %get3A_737 : vector<16xf32>
          %get3A_739 = arith.index_cast %add3A_720 : i32 to index
          %get3A_740 = arith.constant 32 : index
          %get3A_741 = tpu.vector_load %arg13[%get3A_739, %get3A_740] {strides = array<i32>} : memref<256x128xf32, #tpu.memory_space<vmem>>, vector<1x16xf32>,
          %get3A_742 = vector.shape_cast %get3A_741 : vector<1x16xf32> to vector<16xf32>
          %get3A_743 = arith.index_cast %add3A_720 : i32 to index
          %get3A_744 = arith.constant 32 : index
          %get3A_745 = tpu.vector_load %arg14[%get3A_743, %get3A_744] {strides = array<i32>} : memref<256x128xf32, #tpu.memory_space<vmem>>, vector<1x16xf32>,
          %get3A_746 = vector.shape_cast %get3A_745 : vector<1x16xf32> to vector<16xf32>
          %mul3A_747 = arith.mulf %get3A_742, %get3A_746 : vector<16xf32>
          %get3A_748 = arith.index_cast %add3A_720 : i32 to index
          %get3A_749 = arith.constant 48 : index
          %get3A_750 = tpu.vector_load %arg13[%get3A_748, %get3A_749] {strides = array<i32>} : memref<256x128xf32, #tpu.memory_space<vmem>>, vector<1x16xf32>,
          %get3A_751 = vector.shape_cast %get3A_750 : vector<1x16xf32> to vector<16xf32>
          %get3A_752 = arith.index_cast %add3A_720 : i32 to index
          %get3A_753 = arith.constant 48 : index
          %get3A_754 = tpu.vector_load %arg14[%get3A_752, %get3A_753] {strides = array<i32>} : memref<256x128xf32, #tpu.memory_space<vmem>>, vector<1x16xf32>,
          %get3A_755 = vector.shape_cast %get3A_754 : vector<1x16xf32> to vector<16xf32>
          %mul3A_756 = arith.mulf %get3A_751, %get3A_755 : vector<16xf32>
          %get3A_757 = arith.index_cast %add3A_720 : i32 to index
          %get3A_758 = arith.constant 64 : index
          %get3A_759 = tpu.vector_load %arg13[%get3A_757, %get3A_758] {strides = array<i32>} : memref<256x128xf32, #tpu.memory_space<vmem>>, vector<1x16xf32>,
          %get3A_760 = vector.shape_cast %get3A_759 : vector<1x16xf32> to vector<16xf32>
          %get3A_761 = arith.index_cast %add3A_720 : i32 to index
          %get3A_762 = arith.constant 64 : index
          %get3A_763 = tpu.vector_load %arg14[%get3A_761, %get3A_762] {strides = array<i32>} : memref<256x128xf32, #tpu.memory_space<vmem>>, vector<1x16xf32>,
          %get3A_764 = vector.shape_cast %get3A_763 : vector<1x16xf32> to vector<16xf32>
          %mul3A_765 = arith.mulf %get3A_760, %get3A_764 : vector<16xf32>
          %add3A_766 = arith.addf %mul3A_729, %mul3A_765 : vector<16xf32>
          %get3A_767 = arith.index_cast %add3A_720 : i32 to index
          %get3A_768 = arith.constant 80 : index
          %get3A_769 = tpu.vector_load %arg13[%get3A_767, %get3A_768] {strides = array<i32>} : memref<256x128xf32, #tpu.memory_space<vmem>>, vector<1x16xf32>,
          %get3A_770 = vector.shape_cast %get3A_769 : vector<1x16xf32> to vector<16xf32>
          %get3A_771 = arith.index_cast %add3A_720 : i32 to index
          %get3A_772 = arith.constant 80 : index
          %get3A_773 = tpu.vector_load %arg14[%get3A_771, %get3A_772] {strides = array<i32>} : memref<256x128xf32, #tpu.memory_space<vmem>>, vector<1x16xf32>,
          %get3A_774 = vector.shape_cast %get3A_773 : vector<1x16xf32> to vector<16xf32>
          %mul3A_775 = arith.mulf %get3A_770, %get3A_774 : vector<16xf32>
          %add3A_776 = arith.addf %mul3A_738, %mul3A_775 : vector<16xf32>
          %get3A_777 = arith.index_cast %add3A_720 : i32 to index
          %get3A_778 = arith.constant 96 : index
          %get3A_779 = tpu.vector_load %arg13[%get3A_777, %get3A_778] {strides = array<i32>} : memref<256x128xf32, #tpu.memory_space<vmem>>, vector<1x16xf32>,
          %get3A_780 = vector.shape_cast %get3A_779 : vector<1x16xf32> to vector<16xf32>
          %get3A_781 = arith.index_cast %add3A_720 : i32 to index
          %get3A_782 = arith.constant 96 : index
          %get3A_783 = tpu.vector_load %arg14[%get3A_781, %get3A_782] {strides = array<i32>} : memref<256x128xf32, #tpu.memory_space<vmem>>, vector<1x16xf32>,
          %get3A_784 = vector.shape_cast %get3A_783 : vector<1x16xf32> to vector<16xf32>
          %mul3A_785 = arith.mulf %get3A_780, %get3A_784 : vector<16xf32>
          %add3A_786 = arith.addf %mul3A_747, %mul3A_785 : vector<16xf32>
          %get3A_787 = arith.index_cast %add3A_720 : i32 to index
          %get3A_788 = arith.constant 112 : index
          %get3A_789 = tpu.vector_load %arg13[%get3A_787, %get3A_788] {strides = array<i32>} : memref<256x128xf32, #tpu.memory_space<vmem>>, vector<1x16xf32>,
          %get3A_790 = vector.shape_cast %get3A_789 : vector<1x16xf32> to vector<16xf32>
          %get3A_791 = arith.index_cast %add3A_720 : i32 to index
          %get3A_792 = arith.constant 112 : index
          %get3A_793 = tpu.vector_load %arg14[%get3A_791, %get3A_792] {strides = array<i32>} : memref<256x128xf32, #tpu.memory_space<vmem>>, vector<1x16xf32>,
          %get3A_794 = vector.shape_cast %get3A_793 : vector<1x16xf32> to vector<16xf32>
          %mul3A_795 = arith.mulf %get3A_790, %get3A_794 : vector<16xf32>
          %add3A_796 = arith.addf %mul3A_756, %mul3A_795 : vector<16xf32>
          %add3A_797 = arith.addf %add3A_766, %add3A_776 : vector<16xf32>
          %add3A_798 = arith.addf %add3A_786, %add3A_796 : vector<16xf32>
          %add3A_799 = arith.addf %add3A_797, %add3A_798 : vector<16xf32>
          %broadcast_in_dim3A_800 = vector.shape_cast %xor3A_4 : vector<16xi32> to vector<16x1xi32>
          %gather3A_801 = vector.shape_cast %broadcast_in_dim3A_800 : vector<16x1xi32> to vector<16xi32>
          %gather3A_802 = tpu.dynamic_gather %add3A_718[%gather3A_801] in [0] : vector<16xf32>, vector<16xi32> -> vector<16xf32>
          %broadcast_in_dim3A_803 = vector.shape_cast %xor3A_4 : vector<16xi32> to vector<16x1xi32>
          %gather3A_804 = vector.shape_cast %broadcast_in_dim3A_803 : vector<16x1xi32> to vector<16xi32>
          %gather3A_805 = tpu.dynamic_gather %add3A_799[%gather3A_804] in [0] : vector<16xf32>, vector<16xi32> -> vector<16xf32>
          %select_n3A_806 = arith.select %eq3A_8, %add3A_718, %gather3A_805 : vector<16xi1>, vector<16xf32>
          %select_n3A_807 = arith.select %eq3A_8, %gather3A_802, %add3A_799 : vector<16xi1>, vector<16xf32>
          %add3A_808 = arith.addf %select_n3A_806, %select_n3A_807 : vector<16xf32>
          %add3A_809 = arith.constant 2 : i32
          %add3A_810 = arith.addi %add3A_639, %add3A_809 : i32
          %get3A_811 = arith.index_cast %add3A_810 : i32 to index
          %get3A_812 = arith.constant 0 : index
          %get3A_813 = tpu.vector_load %arg13[%get3A_811, %get3A_812] {strides = array<i32>} : memref<256x128xf32, #tpu.memory_space<vmem>>, vector<1x16xf32>,
          %get3A_814 = vector.shape_cast %get3A_813 : vector<1x16xf32> to vector<16xf32>
          %get3A_815 = arith.index_cast %add3A_810 : i32 to index
          %get3A_816 = arith.constant 0 : index
          %get3A_817 = tpu.vector_load %arg14[%get3A_815, %get3A_816] {strides = array<i32>} : memref<256x128xf32, #tpu.memory_space<vmem>>, vector<1x16xf32>,
          %get3A_818 = vector.shape_cast %get3A_817 : vector<1x16xf32> to vector<16xf32>
          %mul3A_819 = arith.mulf %get3A_814, %get3A_818 : vector<16xf32>
          %get3A_820 = arith.index_cast %add3A_810 : i32 to index
          %get3A_821 = arith.constant 16 : index
          %get3A_822 = tpu.vector_load %arg13[%get3A_820, %get3A_821] {strides = array<i32>} : memref<256x128xf32, #tpu.memory_space<vmem>>, vector<1x16xf32>,
          %get3A_823 = vector.shape_cast %get3A_822 : vector<1x16xf32> to vector<16xf32>
          %get3A_824 = arith.index_cast %add3A_810 : i32 to index
          %get3A_825 = arith.constant 16 : index
          %get3A_826 = tpu.vector_load %arg14[%get3A_824, %get3A_825] {strides = array<i32>} : memref<256x128xf32, #tpu.memory_space<vmem>>, vector<1x16xf32>,
          %get3A_827 = vector.shape_cast %get3A_826 : vector<1x16xf32> to vector<16xf32>
          %mul3A_828 = arith.mulf %get3A_823, %get3A_827 : vector<16xf32>
          %get3A_829 = arith.index_cast %add3A_810 : i32 to index
          %get3A_830 = arith.constant 32 : index
          %get3A_831 = tpu.vector_load %arg13[%get3A_829, %get3A_830] {strides = array<i32>} : memref<256x128xf32, #tpu.memory_space<vmem>>, vector<1x16xf32>,
          %get3A_832 = vector.shape_cast %get3A_831 : vector<1x16xf32> to vector<16xf32>
          %get3A_833 = arith.index_cast %add3A_810 : i32 to index
          %get3A_834 = arith.constant 32 : index
          %get3A_835 = tpu.vector_load %arg14[%get3A_833, %get3A_834] {strides = array<i32>} : memref<256x128xf32, #tpu.memory_space<vmem>>, vector<1x16xf32>,
          %get3A_836 = vector.shape_cast %get3A_835 : vector<1x16xf32> to vector<16xf32>
          %mul3A_837 = arith.mulf %get3A_832, %get3A_836 : vector<16xf32>
          %get3A_838 = arith.index_cast %add3A_810 : i32 to index
          %get3A_839 = arith.constant 48 : index
          %get3A_840 = tpu.vector_load %arg13[%get3A_838, %get3A_839] {strides = array<i32>} : memref<256x128xf32, #tpu.memory_space<vmem>>, vector<1x16xf32>,
          %get3A_841 = vector.shape_cast %get3A_840 : vector<1x16xf32> to vector<16xf32>
          %get3A_842 = arith.index_cast %add3A_810 : i32 to index
          %get3A_843 = arith.constant 48 : index
          %get3A_844 = tpu.vector_load %arg14[%get3A_842, %get3A_843] {strides = array<i32>} : memref<256x128xf32, #tpu.memory_space<vmem>>, vector<1x16xf32>,
          %get3A_845 = vector.shape_cast %get3A_844 : vector<1x16xf32> to vector<16xf32>
          %mul3A_846 = arith.mulf %get3A_841, %get3A_845 : vector<16xf32>
          %get3A_847 = arith.index_cast %add3A_810 : i32 to index
          %get3A_848 = arith.constant 64 : index
          %get3A_849 = tpu.vector_load %arg13[%get3A_847, %get3A_848] {strides = array<i32>} : memref<256x128xf32, #tpu.memory_space<vmem>>, vector<1x16xf32>,
          %get3A_850 = vector.shape_cast %get3A_849 : vector<1x16xf32> to vector<16xf32>
          %get3A_851 = arith.index_cast %add3A_810 : i32 to index
          %get3A_852 = arith.constant 64 : index
          %get3A_853 = tpu.vector_load %arg14[%get3A_851, %get3A_852] {strides = array<i32>} : memref<256x128xf32, #tpu.memory_space<vmem>>, vector<1x16xf32>,
          %get3A_854 = vector.shape_cast %get3A_853 : vector<1x16xf32> to vector<16xf32>
          %mul3A_855 = arith.mulf %get3A_850, %get3A_854 : vector<16xf32>
          %add3A_856 = arith.addf %mul3A_819, %mul3A_855 : vector<16xf32>
          %get3A_857 = arith.index_cast %add3A_810 : i32 to index
          %get3A_858 = arith.constant 80 : index
          %get3A_859 = tpu.vector_load %arg13[%get3A_857, %get3A_858] {strides = array<i32>} : memref<256x128xf32, #tpu.memory_space<vmem>>, vector<1x16xf32>,
          %get3A_860 = vector.shape_cast %get3A_859 : vector<1x16xf32> to vector<16xf32>
          %get3A_861 = arith.index_cast %add3A_810 : i32 to index
          %get3A_862 = arith.constant 80 : index
          %get3A_863 = tpu.vector_load %arg14[%get3A_861, %get3A_862] {strides = array<i32>} : memref<256x128xf32, #tpu.memory_space<vmem>>, vector<1x16xf32>,
          %get3A_864 = vector.shape_cast %get3A_863 : vector<1x16xf32> to vector<16xf32>
          %mul3A_865 = arith.mulf %get3A_860, %get3A_864 : vector<16xf32>
          %add3A_866 = arith.addf %mul3A_828, %mul3A_865 : vector<16xf32>
          %get3A_867 = arith.index_cast %add3A_810 : i32 to index
          %get3A_868 = arith.constant 96 : index
          %get3A_869 = tpu.vector_load %arg13[%get3A_867, %get3A_868] {strides = array<i32>} : memref<256x128xf32, #tpu.memory_space<vmem>>, vector<1x16xf32>,
          %get3A_870 = vector.shape_cast %get3A_869 : vector<1x16xf32> to vector<16xf32>
          %get3A_871 = arith.index_cast %add3A_810 : i32 to index
          %get3A_872 = arith.constant 96 : index
          %get3A_873 = tpu.vector_load %arg14[%get3A_871, %get3A_872] {strides = array<i32>} : memref<256x128xf32, #tpu.memory_space<vmem>>, vector<1x16xf32>,
          %get3A_874 = vector.shape_cast %get3A_873 : vector<1x16xf32> to vector<16xf32>
          %mul3A_875 = arith.mulf %get3A_870, %get3A_874 : vector<16xf32>
          %add3A_876 = arith.addf %mul3A_837, %mul3A_875 : vector<16xf32>
          %get3A_877 = arith.index_cast %add3A_810 : i32 to index
          %get3A_878 = arith.constant 112 : index
          %get3A_879 = tpu.vector_load %arg13[%get3A_877, %get3A_878] {strides = array<i32>} : memref<256x128xf32, #tpu.memory_space<vmem>>, vector<1x16xf32>,
          %get3A_880 = vector.shape_cast %get3A_879 : vector<1x16xf32> to vector<16xf32>
          %get3A_881 = arith.index_cast %add3A_810 : i32 to index
          %get3A_882 = arith.constant 112 : index
          %get3A_883 = tpu.vector_load %arg14[%get3A_881, %get3A_882] {strides = array<i32>} : memref<256x128xf32, #tpu.memory_space<vmem>>, vector<1x16xf32>,
          %get3A_884 = vector.shape_cast %get3A_883 : vector<1x16xf32> to vector<16xf32>
          %mul3A_885 = arith.mulf %get3A_880, %get3A_884 : vector<16xf32>
          %add3A_886 = arith.addf %mul3A_846, %mul3A_885 : vector<16xf32>
          %add3A_887 = arith.addf %add3A_856, %add3A_866 : vector<16xf32>
          %add3A_888 = arith.addf %add3A_876, %add3A_886 : vector<16xf32>
          %add3A_889 = arith.addf %add3A_887, %add3A_888 : vector<16xf32>
          %add3A_890 = arith.constant 3 : i32
          %add3A_891 = arith.addi %add3A_639, %add3A_890 : i32
          %get3A_892 = arith.index_cast %add3A_891 : i32 to index
          %get3A_893 = arith.constant 0 : index
          %get3A_894 = tpu.vector_load %arg13[%get3A_892, %get3A_893] {strides = array<i32>} : memref<256x128xf32, #tpu.memory_space<vmem>>, vector<1x16xf32>,
          %get3A_895 = vector.shape_cast %get3A_894 : vector<1x16xf32> to vector<16xf32>
          %get3A_896 = arith.index_cast %add3A_891 : i32 to index
          %get3A_897 = arith.constant 0 : index
          %get3A_898 = tpu.vector_load %arg14[%get3A_896, %get3A_897] {strides = array<i32>} : memref<256x128xf32, #tpu.memory_space<vmem>>, vector<1x16xf32>,
          %get3A_899 = vector.shape_cast %get3A_898 : vector<1x16xf32> to vector<16xf32>
          %mul3A_900 = arith.mulf %get3A_895, %get3A_899 : vector<16xf32>
          %get3A_901 = arith.index_cast %add3A_891 : i32 to index
          %get3A_902 = arith.constant 16 : index
          %get3A_903 = tpu.vector_load %arg13[%get3A_901, %get3A_902] {strides = array<i32>} : memref<256x128xf32, #tpu.memory_space<vmem>>, vector<1x16xf32>,
          %get3A_904 = vector.shape_cast %get3A_903 : vector<1x16xf32> to vector<16xf32>
          %get3A_905 = arith.index_cast %add3A_891 : i32 to index
          %get3A_906 = arith.constant 16 : index
          %get3A_907 = tpu.vector_load %arg14[%get3A_905, %get3A_906] {strides = array<i32>} : memref<256x128xf32, #tpu.memory_space<vmem>>, vector<1x16xf32>,
          %get3A_908 = vector.shape_cast %get3A_907 : vector<1x16xf32> to vector<16xf32>
          %mul3A_909 = arith.mulf %get3A_904, %get3A_908 : vector<16xf32>
          %get3A_910 = arith.index_cast %add3A_891 : i32 to index
          %get3A_911 = arith.constant 32 : index
          %get3A_912 = tpu.vector_load %arg13[%get3A_910, %get3A_911] {strides = array<i32>} : memref<256x128xf32, #tpu.memory_space<vmem>>, vector<1x16xf32>,
          %get3A_913 = vector.shape_cast %get3A_912 : vector<1x16xf32> to vector<16xf32>
          %get3A_914 = arith.index_cast %add3A_891 : i32 to index
          %get3A_915 = arith.constant 32 : index
          %get3A_916 = tpu.vector_load %arg14[%get3A_914, %get3A_915] {strides = array<i32>} : memref<256x128xf32, #tpu.memory_space<vmem>>, vector<1x16xf32>,
          %get3A_917 = vector.shape_cast %get3A_916 : vector<1x16xf32> to vector<16xf32>
          %mul3A_918 = arith.mulf %get3A_913, %get3A_917 : vector<16xf32>
          %get3A_919 = arith.index_cast %add3A_891 : i32 to index
          %get3A_920 = arith.constant 48 : index
          %get3A_921 = tpu.vector_load %arg13[%get3A_919, %get3A_920] {strides = array<i32>} : memref<256x128xf32, #tpu.memory_space<vmem>>, vector<1x16xf32>,
          %get3A_922 = vector.shape_cast %get3A_921 : vector<1x16xf32> to vector<16xf32>
          %get3A_923 = arith.index_cast %add3A_891 : i32 to index
          %get3A_924 = arith.constant 48 : index
          %get3A_925 = tpu.vector_load %arg14[%get3A_923, %get3A_924] {strides = array<i32>} : memref<256x128xf32, #tpu.memory_space<vmem>>, vector<1x16xf32>,
          %get3A_926 = vector.shape_cast %get3A_925 : vector<1x16xf32> to vector<16xf32>
          %mul3A_927 = arith.mulf %get3A_922, %get3A_926 : vector<16xf32>
          %get3A_928 = arith.index_cast %add3A_891 : i32 to index
          %get3A_929 = arith.constant 64 : index
          %get3A_930 = tpu.vector_load %arg13[%get3A_928, %get3A_929] {strides = array<i32>} : memref<256x128xf32, #tpu.memory_space<vmem>>, vector<1x16xf32>,
          %get3A_931 = vector.shape_cast %get3A_930 : vector<1x16xf32> to vector<16xf32>
          %get3A_932 = arith.index_cast %add3A_891 : i32 to index
          %get3A_933 = arith.constant 64 : index
          %get3A_934 = tpu.vector_load %arg14[%get3A_932, %get3A_933] {strides = array<i32>} : memref<256x128xf32, #tpu.memory_space<vmem>>, vector<1x16xf32>,
          %get3A_935 = vector.shape_cast %get3A_934 : vector<1x16xf32> to vector<16xf32>
          %mul3A_936 = arith.mulf %get3A_931, %get3A_935 : vector<16xf32>
          %add3A_937 = arith.addf %mul3A_900, %mul3A_936 : vector<16xf32>
          %get3A_938 = arith.index_cast %add3A_891 : i32 to index
          %get3A_939 = arith.constant 80 : index
          %get3A_940 = tpu.vector_load %arg13[%get3A_938, %get3A_939] {strides = array<i32>} : memref<256x128xf32, #tpu.memory_space<vmem>>, vector<1x16xf32>,
          %get3A_941 = vector.shape_cast %get3A_940 : vector<1x16xf32> to vector<16xf32>
          %get3A_942 = arith.index_cast %add3A_891 : i32 to index
          %get3A_943 = arith.constant 80 : index
          %get3A_944 = tpu.vector_load %arg14[%get3A_942, %get3A_943] {strides = array<i32>} : memref<256x128xf32, #tpu.memory_space<vmem>>, vector<1x16xf32>,
          %get3A_945 = vector.shape_cast %get3A_944 : vector<1x16xf32> to vector<16xf32>
          %mul3A_946 = arith.mulf %get3A_941, %get3A_945 : vector<16xf32>
          %add3A_947 = arith.addf %mul3A_909, %mul3A_946 : vector<16xf32>
          %get3A_948 = arith.index_cast %add3A_891 : i32 to index
          %get3A_949 = arith.constant 96 : index
          %get3A_950 = tpu.vector_load %arg13[%get3A_948, %get3A_949] {strides = array<i32>} : memref<256x128xf32, #tpu.memory_space<vmem>>, vector<1x16xf32>,
          %get3A_951 = vector.shape_cast %get3A_950 : vector<1x16xf32> to vector<16xf32>
          %get3A_952 = arith.index_cast %add3A_891 : i32 to index
          %get3A_953 = arith.constant 96 : index
          %get3A_954 = tpu.vector_load %arg14[%get3A_952, %get3A_953] {strides = array<i32>} : memref<256x128xf32, #tpu.memory_space<vmem>>, vector<1x16xf32>,
          %get3A_955 = vector.shape_cast %get3A_954 : vector<1x16xf32> to vector<16xf32>
          %mul3A_956 = arith.mulf %get3A_951, %get3A_955 : vector<16xf32>
          %add3A_957 = arith.addf %mul3A_918, %mul3A_956 : vector<16xf32>
          %get3A_958 = arith.index_cast %add3A_891 : i32 to index
          %get3A_959 = arith.constant 112 : index
          %get3A_960 = tpu.vector_load %arg13[%get3A_958, %get3A_959] {strides = array<i32>} : memref<256x128xf32, #tpu.memory_space<vmem>>, vector<1x16xf32>,
          %get3A_961 = vector.shape_cast %get3A_960 : vector<1x16xf32> to vector<16xf32>
          %get3A_962 = arith.index_cast %add3A_891 : i32 to index
          %get3A_963 = arith.constant 112 : index
          %get3A_964 = tpu.vector_load %arg14[%get3A_962, %get3A_963] {strides = array<i32>} : memref<256x128xf32, #tpu.memory_space<vmem>>, vector<1x16xf32>,
          %get3A_965 = vector.shape_cast %get3A_964 : vector<1x16xf32> to vector<16xf32>
          %mul3A_966 = arith.mulf %get3A_961, %get3A_965 : vector<16xf32>
          %add3A_967 = arith.addf %mul3A_927, %mul3A_966 : vector<16xf32>
          %add3A_968 = arith.addf %add3A_937, %add3A_947 : vector<16xf32>
          %add3A_969 = arith.addf %add3A_957, %add3A_967 : vector<16xf32>
          %add3A_970 = arith.addf %add3A_968, %add3A_969 : vector<16xf32>
          %broadcast_in_dim3A_971 = vector.shape_cast %xor3A_4 : vector<16xi32> to vector<16x1xi32>
          %gather3A_972 = vector.shape_cast %broadcast_in_dim3A_971 : vector<16x1xi32> to vector<16xi32>
          %gather3A_973 = tpu.dynamic_gather %add3A_889[%gather3A_972] in [0] : vector<16xf32>, vector<16xi32> -> vector<16xf32>
          %broadcast_in_dim3A_974 = vector.shape_cast %xor3A_4 : vector<16xi32> to vector<16x1xi32>
          %gather3A_975 = vector.shape_cast %broadcast_in_dim3A_974 : vector<16x1xi32> to vector<16xi32>
          %gather3A_976 = tpu.dynamic_gather %add3A_970[%gather3A_975] in [0] : vector<16xf32>, vector<16xi32> -> vector<16xf32>
          %select_n3A_977 = arith.select %eq3A_8, %add3A_889, %gather3A_976 : vector<16xi1>, vector<16xf32>
          %select_n3A_978 = arith.select %eq3A_8, %gather3A_973, %add3A_970 : vector<16xi1>, vector<16xf32>
          %add3A_979 = arith.addf %select_n3A_977, %select_n3A_978 : vector<16xf32>
          %broadcast_in_dim3A_980 = vector.shape_cast %xor3A_11 : vector<16xi32> to vector<16x1xi32>
          %gather3A_981 = vector.shape_cast %broadcast_in_dim3A_980 : vector<16x1xi32> to vector<16xi32>
          %gather3A_982 = tpu.dynamic_gather %add3A_808[%gather3A_981] in [0] : vector<16xf32>, vector<16xi32> -> vector<16xf32>
          %broadcast_in_dim3A_983 = vector.shape_cast %xor3A_11 : vector<16xi32> to vector<16x1xi32>
          %gather3A_984 = vector.shape_cast %broadcast_in_dim3A_983 : vector<16x1xi32> to vector<16xi32>
          %gather3A_985 = tpu.dynamic_gather %add3A_979[%gather3A_984] in [0] : vector<16xf32>, vector<16xi32> -> vector<16xf32>
          %select_n3A_986 = arith.select %eq3A_17, %add3A_808, %gather3A_985 : vector<16xi1>, vector<16xf32>
          %select_n3A_987 = arith.select %eq3A_17, %gather3A_982, %add3A_979 : vector<16xi1>, vector<16xf32>
          %add3A_988 = arith.addf %select_n3A_986, %select_n3A_987 : vector<16xf32>
          %mul3A_989 = arith.constant 16 : i32
          %mul3A_990 = arith.muli %scan3A_633, %mul3A_989 : i32
          %swap3A_991 = arith.index_cast %mul3A_990 : i32 to index
          %swap3A_992 = tpu.vector_load %arg17[%swap3A_991] {strides = array<i32>} : memref<256xf32, #tpu.memory_space<vmem>>, vector<16xf32>,
          %swap3A_993 = vector.shape_cast %swap3A_992 : vector<16xf32> to vector<16xf32>
          %swap3A_994 = vector.shape_cast %add3A_988 : vector<16xf32> to vector<16xf32>
          tpu.vector_store %arg17[%swap3A_991], %swap3A_994 {strides = array<i32>} : memref<256xf32, #tpu.memory_space<vmem>>, vector<16xf32>,
        }
        %scan3A_107 = arith.constant 4 : i32
        %get3A = arith.constant 0 : index
        %get3A_108 = tpu.vector_load %arg17[%get3A] {strides = array<i32>} : memref<256xf32, #tpu.memory_space<vmem>>, vector<16xf32>,
        %get3A_109 = vector.shape_cast %get3A_108 : vector<16xf32> to vector<16xf32>
        %get3A_110 = arith.constant 16 : index
        %get3A_111 = tpu.vector_load %arg17[%get3A_110] {strides = array<i32>} : memref<256xf32, #tpu.memory_space<vmem>>, vector<16xf32>,
        %get3A_112 = vector.shape_cast %get3A_111 : vector<16xf32> to vector<16xf32>
        %get3A_113 = arith.constant 32 : index
        %get3A_114 = tpu.vector_load %arg17[%get3A_113] {strides = array<i32>} : memref<256xf32, #tpu.memory_space<vmem>>, vector<16xf32>,
        %get3A_115 = vector.shape_cast %get3A_114 : vector<16xf32> to vector<16xf32>
        %get3A_116 = arith.constant 48 : index
        %get3A_117 = tpu.vector_load %arg17[%get3A_116] {strides = array<i32>} : memref<256xf32, #tpu.memory_space<vmem>>, vector<16xf32>,
        %get3A_118 = vector.shape_cast %get3A_117 : vector<16xf32> to vector<16xf32>
        %broadcast_in_dim3A_119 = vector.shape_cast %xor3A_20 : vector<16xi32> to vector<16x1xi32>
        %gather3A = vector.shape_cast %broadcast_in_dim3A_119 : vector<16x1xi32> to vector<16xi32>
        %gather3A_120 = tpu.dynamic_gather %get3A_109[%gather3A] in [0] : vector<16xf32>, vector<16xi32> -> vector<16xf32>
        %broadcast_in_dim3A_121 = vector.shape_cast %xor3A_20 : vector<16xi32> to vector<16x1xi32>
        %gather3A_122 = vector.shape_cast %broadcast_in_dim3A_121 : vector<16x1xi32> to vector<16xi32>
        %gather3A_123 = tpu.dynamic_gather %get3A_112[%gather3A_122] in [0] : vector<16xf32>, vector<16xi32> -> vector<16xf32>
        %select_n3A = arith.select %eq3A_26, %get3A_109, %gather3A_123 : vector<16xi1>, vector<16xf32>
        %select_n3A_124 = arith.select %eq3A_26, %gather3A_120, %get3A_112 : vector<16xi1>, vector<16xf32>
        %add3A_125 = arith.addf %select_n3A, %select_n3A_124 : vector<16xf32>
        %broadcast_in_dim3A_126 = vector.shape_cast %xor3A_20 : vector<16xi32> to vector<16x1xi32>
        %gather3A_127 = vector.shape_cast %broadcast_in_dim3A_126 : vector<16x1xi32> to vector<16xi32>
        %gather3A_128 = tpu.dynamic_gather %get3A_115[%gather3A_127] in [0] : vector<16xf32>, vector<16xi32> -> vector<16xf32>
        %broadcast_in_dim3A_129 = vector.shape_cast %xor3A_20 : vector<16xi32> to vector<16x1xi32>
        %gather3A_130 = vector.shape_cast %broadcast_in_dim3A_129 : vector<16x1xi32> to vector<16xi32>
        %gather3A_131 = tpu.dynamic_gather %get3A_118[%gather3A_130] in [0] : vector<16xf32>, vector<16xi32> -> vector<16xf32>
        %select_n3A_132 = arith.select %eq3A_26, %get3A_115, %gather3A_131 : vector<16xi1>, vector<16xf32>
        %select_n3A_133 = arith.select %eq3A_26, %gather3A_128, %get3A_118 : vector<16xi1>, vector<16xf32>
        %add3A_134 = arith.addf %select_n3A_132, %select_n3A_133 : vector<16xf32>
        %broadcast_in_dim3A_135 = vector.shape_cast %xor3A_29 : vector<16xi32> to vector<16x1xi32>
        %gather3A_136 = vector.shape_cast %broadcast_in_dim3A_135 : vector<16x1xi32> to vector<16xi32>
        %gather3A_137 = tpu.dynamic_gather %add3A_125[%gather3A_136] in [0] : vector<16xf32>, vector<16xi32> -> vector<16xf32>
        %broadcast_in_dim3A_138 = vector.shape_cast %xor3A_29 : vector<16xi32> to vector<16x1xi32>
        %gather3A_139 = vector.shape_cast %broadcast_in_dim3A_138 : vector<16x1xi32> to vector<16xi32>
        %gather3A_140 = tpu.dynamic_gather %add3A_134[%gather3A_139] in [0] : vector<16xf32>, vector<16xi32> -> vector<16xf32>
        %select_n3A_141 = arith.select %eq3A_35, %add3A_125, %gather3A_140 : vector<16xi1>, vector<16xf32>
        %select_n3A_142 = arith.select %eq3A_35, %gather3A_137, %add3A_134 : vector<16xi1>, vector<16xf32>
        %add3A_143 = arith.addf %select_n3A_141, %select_n3A_142 : vector<16xf32>
        %mul3A_144 = arith.constant 16 : i32
        %mul3A_145 = arith.muli %scan3A_100, %mul3A_144 : i32
        %add3A_146 = arith.addi %mul3A_79, %mul3A_145 : i32
        %mul3A_147 = arith.constant 16 : i32
        %mul3A_148 = arith.muli %scan3A_100, %mul3A_147 : i32
        %add3A_149 = arith.addi %mul3A_77, %mul3A_148 : i32
        %get3A_150 = arith.index_cast %add3A_149 : i32 to index
        %get3A_151 = tpu.vector_load %arg12[%get3A_150] {strides = array<i32>} : memref<512xf32, #tpu.memory_space<vmem>>, vector<16xf32>,
        %get3A_152 = vector.shape_cast %get3A_151 : vector<16xf32> to vector<16xf32>
        %broadcast_in_dim3A_153 = arith.constant 0.000000e+00 : f32
        %broadcast_in_dim3A_154 = vector.broadcast %broadcast_in_dim3A_153 : f32 to vector<16xf32>
        %ge3A = arith.constant 6.553600e+04 : f32
        %ge3A_155 = vector.broadcast %ge3A : f32 to vector<16xf32>
        %ge3A_156 = arith.cmpf oge, %get3A_152, %ge3A_155 : vector<16xf32>
        %mul3A_157 = arith.constant 1.52587891E-5 : f32
        %mul3A_158 = vector.broadcast %mul3A_157 : f32 to vector<16xf32>
        %mul3A_159 = arith.mulf %get3A_152, %mul3A_158 : vector<16xf32>
        %select_n3A_160 = arith.select %ge3A_156, %mul3A_159, %get3A_152 : vector<16xi1>, vector<16xf32>
        %jit3A = arith.constant 1.600000e+01 : f32
        %jit3A_161 = arith.constant 0.000000e+00 : f32
        %broadcast_in_dim3A_162 = vector.broadcast %jit3A : f32 to vector<16xf32>
        %broadcast_in_dim3A_163 = vector.broadcast %jit3A_161 : f32 to vector<16xf32>
        %select_n3A_164 = arith.select %ge3A_156, %broadcast_in_dim3A_162, %broadcast_in_dim3A_163 : vector<16xi1>, vector<16xf32>
        %add3A_165 = arith.addf %broadcast_in_dim3A_154, %select_n3A_164 : vector<16xf32>
        %ge3A_166 = arith.constant 2.560000e+02 : f32
        %ge3A_167 = vector.broadcast %ge3A_166 : f32 to vector<16xf32>
        %ge3A_168 = arith.cmpf oge, %select_n3A_160, %ge3A_167 : vector<16xf32>
        %mul3A_169 = arith.constant 3.906250e-03 : f32
        %mul3A_170 = vector.broadcast %mul3A_169 : f32 to vector<16xf32>
        %mul3A_171 = arith.mulf %select_n3A_160, %mul3A_170 : vector<16xf32>
        %select_n3A_172 = arith.select %ge3A_168, %mul3A_171, %select_n3A_160 : vector<16xi1>, vector<16xf32>
        %jit3A_173 = arith.constant 8.000000e+00 : f32
        %jit3A_174 = arith.constant 0.000000e+00 : f32
        %broadcast_in_dim3A_175 = vector.broadcast %jit3A_173 : f32 to vector<16xf32>
        %broadcast_in_dim3A_176 = vector.broadcast %jit3A_174 : f32 to vector<16xf32>
        %select_n3A_177 = arith.select %ge3A_168, %broadcast_in_dim3A_175, %broadcast_in_dim3A_176 : vector<16xi1>, vector<16xf32>
        %add3A_178 = arith.addf %add3A_165, %select_n3A_177 : vector<16xf32>
        %ge3A_179 = arith.constant 1.600000e+01 : f32
        %ge3A_180 = vector.broadcast %ge3A_179 : f32 to vector<16xf32>
        %ge3A_181 = arith.cmpf oge, %select_n3A_172, %ge3A_180 : vector<16xf32>
        %mul3A_182 = arith.constant 6.250000e-02 : f32
        %mul3A_183 = vector.broadcast %mul3A_182 : f32 to vector<16xf32>
        %mul3A_184 = arith.mulf %select_n3A_172, %mul3A_183 : vector<16xf32>
        %select_n3A_185 = arith.select %ge3A_181, %mul3A_184, %select_n3A_172 : vector<16xi1>, vector<16xf32>
        %jit3A_186 = arith.constant 4.000000e+00 : f32
        %jit3A_187 = arith.constant 0.000000e+00 : f32
        %broadcast_in_dim3A_188 = vector.broadcast %jit3A_186 : f32 to vector<16xf32>
        %broadcast_in_dim3A_189 = vector.broadcast %jit3A_187 : f32 to vector<16xf32>
        %select_n3A_190 = arith.select %ge3A_181, %broadcast_in_dim3A_188, %broadcast_in_dim3A_189 : vector<16xi1>, vector<16xf32>
        %add3A_191 = arith.addf %add3A_178, %select_n3A_190 : vector<16xf32>
        %ge3A_192 = arith.constant 4.000000e+00 : f32
        %ge3A_193 = vector.broadcast %ge3A_192 : f32 to vector<16xf32>
        %ge3A_194 = arith.cmpf oge, %select_n3A_185, %ge3A_193 : vector<16xf32>
        %mul3A_195 = arith.constant 2.500000e-01 : f32
        %mul3A_196 = vector.broadcast %mul3A_195 : f32 to vector<16xf32>
        %mul3A_197 = arith.mulf %select_n3A_185, %mul3A_196 : vector<16xf32>
        %select_n3A_198 = arith.select %ge3A_194, %mul3A_197, %select_n3A_185 : vector<16xi1>, vector<16xf32>
        %jit3A_199 = arith.constant 2.000000e+00 : f32
        %jit3A_200 = arith.constant 0.000000e+00 : f32
        %broadcast_in_dim3A_201 = vector.broadcast %jit3A_199 : f32 to vector<16xf32>
        %broadcast_in_dim3A_202 = vector.broadcast %jit3A_200 : f32 to vector<16xf32>
        %select_n3A_203 = arith.select %ge3A_194, %broadcast_in_dim3A_201, %broadcast_in_dim3A_202 : vector<16xi1>, vector<16xf32>
        %add3A_204 = arith.addf %add3A_191, %select_n3A_203 : vector<16xf32>
        %ge3A_205 = arith.constant 2.000000e+00 : f32
        %ge3A_206 = vector.broadcast %ge3A_205 : f32 to vector<16xf32>
        %ge3A_207 = arith.cmpf oge, %select_n3A_198, %ge3A_206 : vector<16xf32>
        %mul3A_208 = arith.constant 5.000000e-01 : f32
        %mul3A_209 = vector.broadcast %mul3A_208 : f32 to vector<16xf32>
        %mul3A_210 = arith.mulf %select_n3A_198, %mul3A_209 : vector<16xf32>
        %select_n3A_211 = arith.select %ge3A_207, %mul3A_210, %select_n3A_198 : vector<16xi1>, vector<16xf32>
        %jit3A_212 = arith.constant 1.000000e+00 : f32
        %jit3A_213 = arith.constant 0.000000e+00 : f32
        %broadcast_in_dim3A_214 = vector.broadcast %jit3A_212 : f32 to vector<16xf32>
        %broadcast_in_dim3A_215 = vector.broadcast %jit3A_213 : f32 to vector<16xf32>
        %select_n3A_216 = arith.select %ge3A_207, %broadcast_in_dim3A_214, %broadcast_in_dim3A_215 : vector<16xi1>, vector<16xf32>
        %add3A_217 = arith.addf %add3A_204, %select_n3A_216 : vector<16xf32>
        %sub3A = arith.constant 1.000000e+00 : f32
        %sub3A_218 = vector.broadcast %sub3A : f32 to vector<16xf32>
        %sub3A_219 = arith.subf %select_n3A_211, %sub3A_218 : vector<16xf32>
        %add3A_220 = arith.constant 1.000000e+00 : f32
        %add3A_221 = vector.broadcast %add3A_220 : f32 to vector<16xf32>
        %add3A_222 = arith.addf %select_n3A_211, %add3A_221 : vector<16xf32>
        %div3A = arith.divf %sub3A_219, %add3A_222 : vector<16xf32>
        %mul3A_223 = arith.mulf %div3A, %div3A : vector<16xf32>
        %mul3A_224 = arith.constant 2.000000e+00 : f32
        %mul3A_225 = vector.broadcast %mul3A_224 : f32 to vector<16xf32>
        %mul3A_226 = arith.mulf %mul3A_225, %div3A : vector<16xf32>
        %mul3A_227 = arith.constant 0.111111112 : f32
        %mul3A_228 = vector.broadcast %mul3A_227 : f32 to vector<16xf32>
        %mul3A_229 = arith.mulf %mul3A_223, %mul3A_228 : vector<16xf32>
        %add3A_230 = arith.constant 0.142857149 : f32
        %add3A_231 = vector.broadcast %add3A_230 : f32 to vector<16xf32>
        %add3A_232 = arith.addf %add3A_231, %mul3A_229 : vector<16xf32>
        %mul3A_233 = arith.mulf %mul3A_223, %add3A_232 : vector<16xf32>
        %add3A_234 = arith.constant 2.000000e-01 : f32
        %add3A_235 = vector.broadcast %add3A_234 : f32 to vector<16xf32>
        %add3A_236 = arith.addf %add3A_235, %mul3A_233 : vector<16xf32>
        %mul3A_237 = arith.mulf %mul3A_223, %add3A_236 : vector<16xf32>
        %add3A_238 = arith.constant 0.333333343 : f32
        %add3A_239 = vector.broadcast %add3A_238 : f32 to vector<16xf32>
        %add3A_240 = arith.addf %add3A_239, %mul3A_237 : vector<16xf32>
        %mul3A_241 = arith.mulf %mul3A_223, %add3A_240 : vector<16xf32>
        %add3A_242 = arith.constant 1.000000e+00 : f32
        %add3A_243 = vector.broadcast %add3A_242 : f32 to vector<16xf32>
        %add3A_244 = arith.addf %add3A_243, %mul3A_241 : vector<16xf32>
        %mul3A_245 = arith.mulf %mul3A_226, %add3A_244 : vector<16xf32>
        %mul3A_246 = arith.constant 0.693147182 : f32
        %mul3A_247 = vector.broadcast %mul3A_246 : f32 to vector<16xf32>
        %mul3A_248 = arith.mulf %add3A_217, %mul3A_247 : vector<16xf32>
        %add3A_249 = arith.addf %mul3A_245, %mul3A_248 : vector<16xf32>
        %sub3A_250 = arith.constant 4.60517025 : f32
        %sub3A_251 = vector.broadcast %sub3A_250 : f32 to vector<16xf32>
        %sub3A_252 = arith.subf %add3A_249, %sub3A_251 : vector<16xf32>
        %mul3A_253 = arith.constant 7.500000e-01 : f32
        %mul3A_254 = vector.broadcast %mul3A_253 : f32 to vector<16xf32>
        %mul3A_255 = arith.mulf %sub3A_252, %mul3A_254 : vector<16xf32>
        %exp3A = math.exp %mul3A_255 : vector<16xf32>
        %min3A = arith.constant 1.000000e+00 : f32
        %min3A_256 = vector.broadcast %min3A : f32 to vector<16xf32>
        %min3A_257 = arith.minimumf %exp3A, %min3A_256 : vector<16xf32>
        %get3A_258 = arith.index_cast %add3A_146 : i32 to index
        %get3A_259 = tpu.vector_load %arg15[%get3A_258] {strides = array<i32>} : memref<256xf32, #tpu.memory_space<vmem>>, vector<16xf32>,
        %get3A_260 = vector.shape_cast %get3A_259 : vector<16xf32> to vector<16xf32>
        %add3A_261 = arith.addf %add3A_143, %get3A_260 : vector<16xf32>
        %get3A_262 = arith.index_cast %add3A_146 : i32 to index
        %get3A_263 = tpu.vector_load %arg16[%get3A_262] {strides = array<i32>} : memref<256xf32, #tpu.memory_space<vmem>>, vector<16xf32>,
        %get3A_264 = vector.shape_cast %get3A_263 : vector<16xf32> to vector<16xf32>
        %add3A_265 = arith.addf %add3A_261, %get3A_264 : vector<16xf32>
        %sub3A_266 = arith.subf %add3A_265, %add3A_249 : vector<16xf32>
        %mul3A_267 = arith.mulf %min3A_257, %sub3A_266 : vector<16xf32>
        %mul3A_268 = arith.mulf %mul3A_267, %sub3A_266 : vector<16xf32>
        %add3A_269 = arith.addf %scan3A_101, %mul3A_268 : vector<16xf32>
        scf.yield %add3A_269 : vector<16xf32>
      }
      %scan3A_99 = arith.constant 8 : i32
      scf.yield %scan3A_98 : vector<16xf32>
    }
    %scan3A_68 = arith.constant 4 : i32
    %swap3A = arith.constant 0 : index
    %swap3A_69 = tpu.vector_load %arg18[%swap3A] {strides = array<i32>} : memref<16xf32, #tpu.memory_space<vmem>>, vector<16xf32>,
    %swap3A_70 = vector.shape_cast %swap3A_69 : vector<16xf32> to vector<16xf32>
    %swap3A_71 = vector.shape_cast %scan3A_67 : vector<16xf32> to vector<16xf32>
    tpu.vector_store %arg18[%swap3A], %swap3A_71 {strides = array<i32>} : memref<16xf32, #tpu.memory_space<vmem>>, vector<16xf32>,
    "tpu.region"() ({
      %run_scoped3A = tpu.sem_alloc : memref<!tpu.dma_semaphore, #tpu.memory_space<semaphore_mem>>
      %dma_start3A_72 = arith.constant 0 : i32
      %dma_start3A_73 = tpu.memref_slice %arg9[%add3A, %dma_start3A_72] : memref<32x16xf32, #tpu.memory_space<hbm>> -> memref<1x16xf32, #tpu.memory_space<hbm>>
      %dma_start3A_74 = tpu.memref_squeeze %dma_start3A_73 : memref<1x16xf32, #tpu.memory_space<hbm>> -> memref<16xf32, #tpu.memory_space<hbm>>
      %dma_start3A_75 = arith.constant 0 : i32
      %dma_start3A_76 = tpu.memref_slice %arg9[%add3A, %dma_start3A_75] : memref<32x16xf32, #tpu.memory_space<hbm>> -> memref<1x16xf32, #tpu.memory_space<hbm>>
      %dma_start3A_77 = tpu.memref_squeeze %dma_start3A_76 : memref<1x16xf32, #tpu.memory_space<hbm>> -> memref<16xf32, #tpu.memory_space<hbm>>
      tpu.enqueue_dma source(%arg18 : memref<16xf32, #tpu.memory_space<vmem>>) target(%dma_start3A_77 : memref<16xf32, #tpu.memory_space<hbm>>) target_semaphore(%run_scoped3A : memref<!tpu.dma_semaphore, #tpu.memory_space<semaphore_mem>>)
      %dma_wait3A = arith.constant 0 : i32
      %dma_wait3A_78 = tpu.memref_slice %arg9[%add3A, %dma_wait3A] : memref<32x16xf32, #tpu.memory_space<hbm>> -> memref<1x16xf32, #tpu.memory_space<hbm>>
      %dma_wait3A_79 = tpu.memref_squeeze %dma_wait3A_78 : memref<1x16xf32, #tpu.memory_space<hbm>> -> memref<16xf32, #tpu.memory_space<hbm>>
      %dma_wait3A_80 = arith.constant 0 : i32
      %dma_wait3A_81 = tpu.memref_slice %arg9[%add3A, %dma_wait3A_80] : memref<32x16xf32, #tpu.memory_space<hbm>> -> memref<1x16xf32, #tpu.memory_space<hbm>>
      %dma_wait3A_82 = tpu.memref_squeeze %dma_wait3A_81 : memref<1x16xf32, #tpu.memory_space<hbm>> -> memref<16xf32, #tpu.memory_space<hbm>>
      tpu.wait_dma2 semaphore(%run_scoped3A : memref<!tpu.dma_semaphore, #tpu.memory_space<semaphore_mem>>) src(%arg18 : memref<16xf32, #tpu.memory_space<vmem>>) dst(%dma_wait3A_82 : memref<16xf32, #tpu.memory_space<hbm>>)
      tpu.yield
    }) : () -> ()
    return
  }
}

</mosaic_0001>

<sc_bundles>
// kernel: kernel.3.cloned.1.call-start
scs
__scs_entry_jumppad:
0x0: {  	(pc) =	sbr.rel $0x88, $3  }
0x1: {  	(tag) =	ssettag $0x0;
	lr =	simm.s32 $0x1  }
0x2: {  	[smem:$0x3F9A] =	sst lr;
	_ =	strace $0xD0000000  }
0x3: {  	_ = 	snop  }
0x4: {  	_ = 	snop  }
0x5: {  	_ = 	snop  }
0x6: {  	_ = 	snop  }
0x7: {  	_ = 	snop  }
__scs_overlays_trampoline_lowered:
0x8: {  	[smem:$0x3FA9] =	sst s0  }
0x9: {  	[smem:$0x3FAA] =	sst s1  }
0xa: {  	[smem:$0x3FAB] =	sst s2  }
0xb: {  	[smem:$0x3FAC] =	sst s3  }
0xc: {  	[smem:$0x3FAD] =	sst s4  }
0xd: {  	[smem:$0x3FAE] =	sst s5  }
0xe: {  	[smem:$0x3FAF] =	sst s6  }
0xf: {  	[smem:$0x3FB0] =	sst s7  }
0x10: {  	[smem:$0x3FB1] =	sst s8  }
0x11: {  	[smem:$0x3FB2] =	sst s9;
	s0 =	simm.s32 @!p0 $0x0  }
0x12: {  	s1 =	sld [smem:$0x3F98];
	s0 =	simm.s32 @p0 $0x1  }
0x13: {  	[smem:$0x3FB3] =	sst s0;
	s0 =	simm.s32 @!p1 $0x0  }
0x14: {  	s2 =	sld [smem:$0x3F97];
	s0 =	simm.s32 @p1 $0x1  }
0x15: {  	[smem:$0x3FB4] =	sst s0;
	s0 =	simm.s32 @!p2 $0x0  }
0x16: {  	s3 =	sld [smem:$0x3FDB];
	s0 =	simm.s32 @p2 $0x1  }
0x17: {  	s4 =	simm.s32 $0x1BF5;
	[smem:$0x3FB6] =	sst s0  }
0x18: {  	s0 =	sld [smem:$0x3F99];
	_ =	swait.ge [sflag:s4], $0x0  }
0x19: {  	s7 =	sld [smem:$0x3F9A]  }
0x1a: {  	s8 =	sadd.s32 $0xFFFFE003, lr  }
0x1b: {  	s9 =	sadd.s32 $0xFFFFFEF7, lr;
	s5 =	simm.s32 $0xFFFFFFFF;
	p2 =	slt.u32 s8, $0xFFFFF086  }
0x1c: {  	p1 =	slt.u32 s9, $0xF7A;
	s5 =	simm.s32 @!p2 $0x0  }
0x1d: {  	s5 =	simm.s32 @p1 $0x1;
	p0 =	seq.s32 s7, s2  }
0x1e: {  	s7 =	smul.u32 @!p0 $0xF7A, s2;
	p2 =	seq.s32 @!p0 s5, $0x0  }
0x1f: {  	s9 =	smul.u32 $0xF7A, s1;
	s8 =	simm.s32 @!p0 $0x1BF5;
	p2 =	por !p2, p0  }
0x20: {  	[sflag:s8] =	ssyncset.s32 @!p0 $0xFFFFF086;
	s6 =	sadd.s32 @!p0 s3, s7;
	s7 =	simm.s32 @!p0 $0x108  }
0x21: {  	s3 =	sadd.s32 s3, s9;
	s6 =	sadd.s32 @!p0 $0x88, s6;
	s7 =	simm.s32 @p2 $0x1082  }
0x22: {  	[simem:s7], [sflag:s8] =	dma.local @!p0 [hbm:s6], $0xF7A  }
0x23: {  	s9 =	sor.u32 $0xD0000000, s2;
	s6 =	simm.s32 $0x108;
	_ =	swait.ge @!p0 [sflag:s8], $0x0  }
0x24: {  	s3 =	sadd.s32 $0x88, s3;
	s6 =	simm.s32 @!p1 $0x1082;
	[sflag:s4] =	ssyncset.s32 $0xFFFFF086  }
0x25: {  	[simem:s6], [sflag:s4] =	dma.local [hbm:s3], $0xF7A  }
0x26: {  	[smem:$0x3F9A] =	sst s1;
	(tag) =	ssettag s2;
	_ =	strace s9  }
0x27: {  	s1 =	sld [smem:$0x3FAA]  }
0x28: {  	s2 =	sld [smem:$0x3FAB]  }
0x29: {  	s4 =	sld [smem:$0x3FAD]  }
0x2a: {  	p0 =	seq.s32 s5, $0x0;
	s5 =	sld [smem:$0x3FAE]  }
0x2b: {  	s6 =	sld [smem:$0x3FAF]  }
0x2c: {  	s7 =	sld [smem:$0x3FB0]  }
0x2d: {  	s3 =	simm.s32 $0x108;
	s8 =	sld [smem:$0x3FB1]  }
0x2e: {  	s3 =	simm.s32 @!p0 $0x1082;
	s9 =	sld [smem:$0x3FB2]  }
0x2f: {  	lr =	sadd.s32 s0, s3;
	s0 =	sld [smem:$0x3FA9]  }
0x30: {  	s3 =	sld [smem:$0x3FAC]  }
0x31: {  	[smem:$0x3FB5] =	sst s10  }
0x32: {  	s10 =	sld [smem:$0x3FB3];
	_ =	sdelay $0x3  }
0x33: {  	p0 =	seq.s32 s10, $0x1;
	s10 =	sld [smem:$0x3FB5];
	_ =	sdelay $0x3  }
0x34: {  	[smem:$0x3FB5] =	sst s10  }
0x35: {  	s10 =	sld [smem:$0x3FB4];
	_ =	sdelay $0x3  }
0x36: {  	p1 =	seq.s32 s10, $0x1;
	s10 =	sld [smem:$0x3FB5];
	_ =	sdelay $0x3  }
0x37: {  	[smem:$0x3FB5] =	sst s10  }
0x38: {  	s10 =	sld [smem:$0x3FB6]  }
0x39: {  	_ = 	snop;
	(pc) =	sbr.ind lr, $3  }
0x3a: {  	_ = 	snop  }
0x3b: {  	_ = 	snop  }
0x3c: {  	p2 =	seq.s32 s10, $0x1;
	s10 =	sld [smem:$0x3FB5]  }
0x3d: {  	_ =	shalt  }
0x3e: {  	_ =	shalt  }
0x3f: {  	_ =	shalt  }
0x40: {  	_ =	shalt  }
0x41: {  	_ =	shalt  }
0x42: {  	_ =	shalt  }
0x43: {  	_ =	shalt  }
0x44: {  	_ =	shalt  }
0x45: {  	_ =	shalt  }
0x46: {  	_ =	shalt  }
0x47: {  	_ =	shalt  }
0x48: {  	_ =	shalt  }
0x49: {  	_ =	shalt  }
0x4a: {  	_ =	shalt  }
0x4b: {  	_ =	shalt  }
0x4c: {  	_ =	shalt  }
0x4d: {  	_ =	shalt  }
0x4e: {  	_ =	shalt  }
0x4f: {  	_ =	shalt  }
0x50: {  	_ =	shalt  }
0x51: {  	_ =	shalt  }
0x52: {  	_ =	shalt  }
0x53: {  	_ =	shalt  }
0x54: {  	_ =	shalt  }
0x55: {  	_ =	shalt  }
0x56: {  	_ =	shalt  }
0x57: {  	_ =	shalt  }
0x58: {  	_ =	shalt  }
0x59: {  	_ =	shalt  }
0x5a: {  	_ =	shalt  }
0x5b: {  	_ =	shalt  }
0x5c: {  	_ =	shalt  }
0x5d: {  	_ =	shalt  }
0x5e: {  	_ =	shalt  }
0x5f: {  	_ =	shalt  }
0x60: {  	_ =	shalt  }
0x61: {  	_ =	shalt  }
0x62: {  	_ =	shalt  }
0x63: {  	_ =	shalt  }
0x64: {  	_ =	shalt  }
0x65: {  	_ =	shalt  }
0x66: {  	_ =	shalt  }
0x67: {  	_ =	shalt  }
0x68: {  	_ =	shalt  }
0x69: {  	_ =	shalt  }
0x6a: {  	_ =	shalt  }
0x6b: {  	_ =	shalt  }
0x6c: {  	_ =	shalt  }
0x6d: {  	_ =	shalt  }
0x6e: {  	_ =	shalt  }
0x6f: {  	_ =	shalt  }
0x70: {  	_ =	shalt  }
0x71: {  	_ =	shalt  }
0x72: {  	_ =	shalt  }
0x73: {  	_ =	shalt  }
0x74: {  	_ =	shalt  }
0x75: {  	_ =	shalt  }
0x76: {  	_ =	shalt  }
0x77: {  	_ =	shalt  }
0x78: {  	_ =	shalt  }
0x79: {  	_ =	shalt  }
0x7a: {  	_ =	shalt  }
0x7b: {  	_ =	shalt  }
0x7c: {  	_ =	shalt  }
0x7d: {  	_ =	shalt  }
0x7e: {  	_ =	shalt  }
0x7f: {  	_ =	shalt  }
0x80: {  	_ =	shalt  }
0x81: {  	_ =	shalt  }
0x82: {  	_ =	shalt  }
0x83: {  	_ =	shalt  }
0x84: {  	_ =	shalt  }
0x85: {  	_ =	shalt  }
0x86: {  	_ =	shalt  }
0x87: {  	_ =	shalt  }
.Lfunc_end0:
.L_simem_size_0:
called_computation_lowered:
.L_overlay_start_0:
0x88: {  	s2 =	sld [smem:$0x3FD9]  }
0x89: {  	s3 =	sld [smem:$0x3FFE];
	_ =	sdelay $0x1  }
0x8a: {  	s1 =	srdreg.scid  }
0x8b: {  	s0 =	sand.u32 $0x1, s1  }
0x8c: {  	s17 =	sshll.u32 s0, $0xA;
	s2 =	sadd.s32 s3, s2  }
0x8d: {  	s2 =	sadd.s32 s2, s17  }
0x8e: {  	[smem:$0x3FC1] =	sst s2  }
0x8f: {  	_ = 	snop  }
0x90: {  	s2 =	sld [smem:$0x3FC9]  }
0x91: {  	s18 =	sld [smem:$0x3FC8]  }
0x92: {  	s4 =	sld [smem:$0x3FC7]  }
0x93: {  	s5 =	sld [smem:$0x3FC6]  }
0x94: {  	s6 =	sld [smem:$0x3FC5]  }
0x95: {  	s7 =	sld [smem:$0x3FC4]  }
0x96: {  	s8 =	sld [smem:$0x3FC3];
	(tm) =	ssettm $0x1  }
0x97: {  	s9 =	sld [smem:$0x3FFB];
	_ =	sdelay $0x3  }
0x98: {  	_ =	strace s9  }
0x99: {  	s9 =	sld [smem:$0x3FFC];
	_ =	sdelay $0x3  }
0x9a: {  	_ =	strace s9  }
0x9b: {  	s9 =	sld [smem:$0x3FFD];
	_ =	sdelay $0x3  }
0x9c: {  	_ =	strace s9  }
0x9d: {  	_ =	strace $0x8FFFFFFF  }
0x9e: {  	s19 =	sld [smem:$0x3FDB];
	_ =	sdelay $0x1  }
0x9f: {  	s10 =	simm.s32 $_scs_section_size  }
0xa0: {  	s11 =	simm.s32 $_size__tile_overlayer_lowered;
	s12 =	simm.s32 $_tile_overlayer_lowered  }
0xa1: {  	s22 =	simm.s32 $0x1BFF;
	s21 =	sshll.u32 s12, $0x1;
	s9 =	sadd.s32 s10, s19  }
0xa2: {  	s13 =	simm.s32 $0x0;
	s20 =	sshll.u32 s11, $0x1;
	s11 =	sadd.s32 s21, s9  }
0xa3: {  	[timem:s13], [sflag:s22] =	dma.local [hbm:s11], s20  }
0xa4: {  	_ =	swait.ge [sflag:s22], s20  }
0xa5: {  	s10 =	ssub.s32 $0x0, s20;
	[sflag:s22] =	ssyncset.done $0x0  }
0xa6: {  	[sflag:s22] =	ssyncadd.s32 s10;
	_ =	sdelay $0x1  }
0xa7: {  	s23 =	simm.s32 $0x1B8B  }
0xa8: {  	_ =	swait.ge [sflag:s23], $0x1  }
0xa9: {  	[sflag:s23] =	ssyncset.done $0x0  }
0xaa: {  	s25 =	simm.s32 $0x1B8E;
	s24 =	sld [smem:$0x3FFE];
	[sflag:s23] =	ssyncadd.s32 $0xFFFFFFFF  }
0xab: {  	s26 =	simm.s32 $execute0_lowered;
	[smem:$0x3FD2] =	sst s25  }
0xac: {  	s11 =	sshll.u32 s26, $0x1;
	_ =	strace $0x80000046;
	[dreg:$0x1] =	wrdreg $0xFFFFFFFF  }
0xad: {  	s28 =	simm.s32 $_size_execute0_lowered;
	s9 =	sadd.s32 s9, s11;
	[dreg:$0x0] =	wrdreg $0x0  }
0xae: {  	s11 =	sshll.u32 s28, $0x1;
	[dreg:$0x2] =	wrdreg s9  }
0xaf: {  	[dreg:$0x3] =	wrdreg s11  }
0xb0: {  	[dreg:$0x4] =	wrdreg $0xC0  }
0xb1: {  	_ =	task [dreg:s13], $0x5FFFF  }
0xb2: {  	[dreg:$0x1] =	wrdreg $0xFFFFFFFF  }
0xb3: {  	[dreg:$0x0] =	wrdreg $0x60  }
0xb4: {  	[dreg:$0x2] =	wrdreg s2  }
0xb5: {  	[dreg:$0x3] =	wrdreg s18  }
0xb6: {  	[dreg:$0x4] =	wrdreg s4  }
0xb7: {  	[dreg:$0x5] =	wrdreg s5  }
0xb8: {  	[dreg:$0x6] =	wrdreg s6  }
0xb9: {  	[dreg:$0x7] =	wrdreg s7  }
0xba: {  	[dreg:$0x8] =	wrdreg s8  }
0xbb: {  	[dreg:$0x9] =	wrdreg s24  }
0xbc: {  	[dreg:$0xa] =	wrdreg $0x9  }
0xbd: {  	_ =	task.clear_ibuf [dreg:s13], $0xBFFFF;
	_ =	strace $0x90000046  }
0xbe: {  	s29 =	simm.s32 $0x9;
	_ =	strace $0x80000048  }
0xbf: {  	_ =	swait.ge [sflag:s29], $0x1  }
0xc0: {  	[sflag:s29] =	ssyncadd.s32 $0xFFFFFFFF  }
0xc1: {  	_ =	strace $0x90000048  }
0xc2: {  	_ =	sfence  }
0xc3: {  	s30 =	sld [smem:$0x0];
	_ =	sdelay $0x2  }
0xc4: {  	s31 =	sshll.u32 s1, $0xD;
	s1 =	sshrl.u32 s1, $0x2  }
0xc5: {  	s3 =	sand.u32 $0x4000, s31;
	s1 =	sadd.s32 s1, s30  }
0xc6: {  	s0 =	sor.u32 s3, s0;
	s1 =	sshll.u32 s1, $0x11  }
0xc7: {  	s0 =	sor.u32 s1, s0  }
0xc8: {  	s0 =	sadd.s32 $0x8F2B, s0  }
0xc9: {  	[sflag:s0] =	ssyncadd.remote.s32 $0x1  }
0xca: {  	_ =	sfence.sel $0xFFFF  }
0xcb: {  	[dreg:$0x0] =	wrdreg $0xFFFFFFFF;
	(pc) =	sbr.abs _section_cstart, $3  }
0xcc: {  	[dreg:$0x1] =	wrdreg $0xFFFFFFFF  }
0xcd: {  	_ =	task.clear_ibuf [dreg:s13], $0x2FFFF;
	_ =	strace $0x9FFFFFFF  }
0xce: {  	(tm) =	ssettm $0x7FFFFFFF  }
0xcf: {  	_ =	shalt  }
tec
execute0_lowered:
.L_overlay_start_1:
0x0: {  	(tag) =	ssettag $0x1  }
0x1: {  	v0 =	vimm.s32 $0xEFCDAB89;
	v1 =	vimm.s32 $0x67452301  }
0x2: {  	vm0 =	vcmask $0xB08;
	vm1 =	vcmask $0x300;
	v2 =	vimm.s32 $0x54761032  }
0x3: {  	s7 =	rddreg [dreg:$0x0];
	v3 =	vimm.s32 $0xBA98FEDC;
	v4 =	vimm.s32 $0x32107654;
	v0 =	vunpack.c.l.s4.s8 v0  }
0x4: {  	s8 =	rddreg [dreg:$0x1];
	v1 =	vunpack.c.l.s4.s8 v1;
	vm0 =	vmor vm1, vm0;
	vm1 =	vcmask $0x1310  }
0x5: {  	s9 =	rddreg [dreg:$0x2];
	vm2 =	vcmask $0x700;
	v2 =	vunpack.c.l.s4.s8 v2;
	vm0 =	vmor vm0, vm1  }
0x6: {  	s0 =	rddreg [dreg:$0x3];
	vm1 =	vcmask $0x1B18;
	v0 =	vunpack.c.0.s8.s32 v0;
	v1 =	vunpack.c.0.s8.s32 v1  }
0x7: {  	s1 =	rddreg [dreg:$0x4];
	v3 =	vunpack.c.l.s4.s8 v3;
	v4 =	vunpack.c.l.s4.s8 v4;
	vm0 =	vmor vm0, vm1  }
0x8: {  	s2 =	rddreg [dreg:$0x5];
	vm1 =	vcmask $0x2320;
	v0 =	vcombine.low v1, v0;
	v1 =	vimm.s32 $0xDCFE98BA  }
0x9: {  	s3 =	rddreg [dreg:$0x6];
	vm0 =	vmor vm0, vm1;
	vm1 =	vcmask $0x2B28;
	v1 =	vunpack.c.l.s4.s8 v1  }
0xa: {  	s10 =	rddreg [dreg:$0x7];
	v2 =	vunpack.c.0.s8.s32 v2;
	vm0 =	vmor vm0, vm1;
	vm1 =	vcmask $0x3330  }
0xb: {  	s6 =	srdreg.scid;
	s4 =	stileid.u32;
	vm0 =	vmor vm0, vm1;
	vm1 =	vcmask $0x3B38;
	v1 =	vunpack.c.0.s8.s32 v1  }
0xc: {  	s5 =	rddreg [dreg:$0x8];
	s15 =	simm.s32 $0x80;
	vm3 =	vcmask $0xF00;
	s16 =	simm.s32 $0x600;
	vm0 =	vmor vm0, vm1;
	vm1 =	vcmask $0x1710  }
0xd: {  	s17 =	simm.s32 $0x8600;
	s18 =	simm.s32 $0x10600;
	s19 =	simm.s32 $0x10700;
	v1 =	vcombine.low v2, v1;
	v2 =	vunpack.c.0.s8.s32 v3;
	v3 =	vunpack.c.0.s8.s32 v4  }
0xe: {  	s20 =	simm.s32 $0x10900;
	s21 =	simm.s32 $0x0;
	s11 =	sand.u32 $0x1, s6;
	vm1 =	vmor vm2, vm1;
	vm2 =	vcmask $0x2720;
	v4 =	vimm.s32 $0xFEDCBA98  }
0xf: {  	s12 =	sshll.u32 s4, $0x1;
	s6 =	simm.s32 $0x0;
	s13 =	ssub.s32 $0x2, s11;
	v4 =	vunpack.c.l.s4.s8 v4;
	v2 =	vcombine.low v3, v2;
	v3 =	vimm.s32 $0x76543210  }
0x10: {  	s11 =	sor.u32 s11, s12;
	[smem:$0x7FF] =	sst s6;
	s31 =	sshrl.u32 s13, $0x1;
	vm1 =	vmor vm1, vm2;
	vm2 =	vcmask $0x3730;
	v3 =	vunpack.c.l.s4.s8 v3  }
0x11: {  	s14 =	sshll.u32 s11, $0x6;
	_ =	strace $0x80000047;
	s11 =	sshll.u32 s11, $0x4;
	vm1 =	vmor vm1, vm2;
	vm2 =	vcmask $0x2F20;
	v4 =	vunpack.c.0.s8.s32 v4  }
0x12: {  	s12 =	ssub.s32 s13, s31;
	s7 =	sadd.s32 s7, s14;
	s8 =	sadd.s32 s8, s14;
	v0 =	vand.u32 $0xF, v0;
	vm2 =	vmor vm3, vm2;
	v3 =	vunpack.c.0.s8.s32 v3  }
0x13: {  	s9 =	sadd.s32 s9, s14;
	s10 =	sadd.s32 s10, s11;
	s13 =	simm.s32 $0x200;
	vm3 =	vmmov $0xff;
	v1 =	vand.u32 $0xF, v1;
	v4 =	vand.u32 $0xF, v4  }
0x14: {  	s14 =	simm.s32 $0x400;
	s11 =	smax.u32 s12, $0x1;
	s12 =	simm.s32 $0x3;
	v2 =	vand.u32 $0xF, v2;
	v3 =	vcombine.low v4, v3;
	v4 =	vimm.f32 $0.0e+00  }
.LBB2_1:
0x15: {  	[tilespmem:s6], [sflag:$0x3] =	stream.linear.gather [hbm4b:s7+s6], $0x200, $0x38;
	[tilespmem:$0x10980] =	vst v63  }
0x16: {  	_ =	swait.ge [sflag:s12], $0x200  }
0x17: {  	[sflag:s12] =	ssyncset.done $0x0  }
0x18: {  	[sflag:s12] =	ssyncadd.s32 $0xFFFFFE00  }
0x19: {  	[tilespmem:s13], [sflag:$0x3] =	stream.linear.gather [hbm4b:s8+s6], $0x200, $0x38;
	[tilespmem:$0x10980] =	vst v63  }
0x1a: {  	_ =	swait.ge [sflag:s12], $0x200  }
0x1b: {  	[sflag:s12] =	ssyncset.done $0x0  }
0x1c: {  	[sflag:s12] =	ssyncadd.s32 $0xFFFFFE00  }
0x1d: {  	[tilespmem:s14], [sflag:$0x3] =	stream.linear.gather [hbm4b:s9+s6], $0x200, $0x38;
	[tilespmem:$0x10980] =	vst v63  }
0x1e: {  	_ =	swait.ge [sflag:s12], $0x200  }
0x1f: {  	[sflag:s12] =	ssyncset.done $0x0  }
0x20: {  	[sflag:s12] =	ssyncadd.s32 $0xFFFFFE00  }
0x21: {  	[tilespmem:s16], [sflag:$0x1] =	stream.indirect.gather [hbm4b:s0+s15], $0x80, s6, s15, $0xb8;
	[tilespmem:$0x10980] =	vst v63  }
0x22: {  	_ = 	snop  }
0x23: {  	[tilespmem:s17], [sflag:$0x1] =	stream.indirect.gather [hbm4b:s1+s15], $0x80, s13, s15, $0xb8;
	[tilespmem:$0x10980] =	vst v63  }
0x24: {  	_ = 	snop  }
0x25: {  	[tilespmem:s18], [sflag:$0x1] =	stream.indirect.gather [hbm4b:s2+s15], $0x1, s6, s15, $0xb8;
	[tilespmem:$0x10980] =	vst v63  }
0x26: {  	s22 =	simm.s32 $0x0  }
0x27: {  	v5 =	vimm.f32 $0.0e+00;
	[tilespmem:s19], [sflag:$0x1] =	stream.indirect.gather [hbm4b:s3+s15], $0x1, s13, s15, $0xb8;
	[tilespmem:$0x10980] =	vst v63  }
.LBB2_3:
0x28: {  	s23 =	sand.u32 $0x1, s22  }
0x29: {  	p0 =	seq.s32 s23, $0x1  }
0x2a: {  	s24 =	simm.s32 @p0 $0x2  }
0x2b: {  	_ =	swait.ge @p0 [sflag:s24], $0x4000  }
0x2c: {  	[sflag:s24] =	ssyncset.done @p0 $0x0  }
0x2d: {  	[sflag:s24] =	ssyncadd.s32 @p0 $0xFFFFC000  }
0x2e: {  	_ =	swait.ge @p0 [sflag:s24], $0x4000  }
0x2f: {  	[sflag:s24] =	ssyncset.done @p0 $0x0  }
0x30: {  	[sflag:s24] =	ssyncadd.s32 @p0 $0xFFFFC000  }
0x31: {  	_ =	swait.ge @p0 [sflag:s24], $0x80  }
0x32: {  	[sflag:s24] =	ssyncset.done @p0 $0x0  }
0x33: {  	p1 =	seq.s32 @p0 s22, $0x3;
	[sflag:s24] =	ssyncadd.s32 @p0 $0xFFFFFF80  }
0x34: {  	p2 =	por p1, !p0;
	_ =	swait.ge @p0 [sflag:s24], $0x80  }
0x35: {  	s25 =	sshll.u32 s22, $0x7;
	s26 =	simm.s32 @!p2 $0x80;
	[sflag:s24] =	ssyncset.done @p0 $0x0  }
0x36: {  	s28 =	simm.s32 @!p2 $0x600;
	[sflag:s24] =	ssyncadd.s32 @p0 $0xFFFFFF80;
	s24 =	sadd.s32 @!p2 $0x80, s25  }
0x37: {  	[tilespmem:s28], [sflag:$0x1] =	stream.indirect.gather @!p2 [hbm4b:s0+s26], $0x80, s24, s26, $0xb8;
	[tilespmem:$0x10980] =	vst v63  }
0x38: {  	s29 =	simm.s32 @!p2 $0x8600;
	s28 =	sadd.s32 @!p2 $0x280, s25  }
0x39: {  	[tilespmem:s29], [sflag:$0x1] =	stream.indirect.gather @!p2 [hbm4b:s1+s26], $0x80, s28, s26, $0xb8;
	[tilespmem:$0x10980] =	vst v63  }
0x3a: {  	s29 =	simm.s32 @!p2 $0x10600  }
0x3b: {  	[tilespmem:s29], [sflag:$0x1] =	stream.indirect.gather @!p2 [hbm4b:s2+s26], $0x1, s24, s26, $0xb8;
	[tilespmem:$0x10980] =	vst v63  }
0x3c: {  	s24 =	simm.s32 @!p2 $0x10700  }
0x3d: {  	[tilespmem:s24], [sflag:$0x1] =	stream.indirect.gather @!p2 [hbm4b:s3+s26], $0x1, s28, s26, $0xb8;
	[tilespmem:$0x10980] =	vst v63  }
0x3e: {  	s24 =	simm.s32 @!p0 $0x1  }
0x3f: {  	_ =	swait.ge @!p0 [sflag:s24], $0x4000  }
0x40: {  	[sflag:s24] =	ssyncset.done @!p0 $0x0  }
0x41: {  	[sflag:s24] =	ssyncadd.s32 @!p0 $0xFFFFC000  }
0x42: {  	_ =	swait.ge @!p0 [sflag:s24], $0x4000  }
0x43: {  	[sflag:s24] =	ssyncset.done @!p0 $0x0  }
0x44: {  	[sflag:s24] =	ssyncadd.s32 @!p0 $0xFFFFC000  }
0x45: {  	_ =	swait.ge @!p0 [sflag:s24], $0x80  }
0x46: {  	[sflag:s24] =	ssyncset.done @!p0 $0x0  }
0x47: {  	[sflag:s24] =	ssyncadd.s32 @!p0 $0xFFFFFF80  }
0x48: {  	_ =	swait.ge @!p0 [sflag:s24], $0x80  }
0x49: {  	s26 =	simm.s32 @!p0 $0x80;
	[sflag:s24] =	ssyncset.done @!p0 $0x0  }
0x4a: {  	s28 =	simm.s32 @!p0 $0x4600;
	[sflag:s24] =	ssyncadd.s32 @!p0 $0xFFFFFF80;
	s24 =	sor.u32 @!p0 $0x80, s25  }
0x4b: {  	[tilespmem:s28], [sflag:$0x2] =	stream.indirect.gather @!p0 [hbm4b:s0+s26], $0x80, s24, s26, $0xb8;
	[tilespmem:$0x10980] =	vst v63  }
0x4c: {  	s29 =	simm.s32 @!p0 $0xC600;
	s28 =	sadd.s32 @!p0 $0x280, s25  }
0x4d: {  	[tilespmem:s29], [sflag:$0x2] =	stream.indirect.gather @!p0 [hbm4b:s1+s26], $0x80, s28, s26, $0xb8;
	[tilespmem:$0x10980] =	vst v63  }
0x4e: {  	s29 =	simm.s32 @!p0 $0x10680  }
0x4f: {  	[tilespmem:s29], [sflag:$0x2] =	stream.indirect.gather @!p0 [hbm4b:s2+s26], $0x1, s24, s26, $0xb8;
	[tilespmem:$0x10980] =	vst v63  }
0x50: {  	p1 =	por !p1, !p0;
	s25 =	sadd.s32 $0x400, s25;
	s24 =	sadd.s32 @!p2 $0x1, s22  }
0x51: {  	s29 =	simm.s32 @!p0 $0x10780;
	s22 =	sor.u32 @!p0 $0x1, s22;
	s24 =	simm.s32 @!p1 $0x4  }
0x52: {  	[tilespmem:s29], [sflag:$0x2] =	stream.indirect.gather @!p0 [hbm4b:s3+s26], $0x1, s28, s26, $0xb8;
	[tilespmem:$0x10980] =	vst v63  }
0x53: {  	s23 =	sshll.u32 s23, $0x7;
	v6 =	vmov s25;
	s22 =	smov.u32 @p0 s24;
	s24 =	simm.s32 $0x0  }
.LBB2_4:
0x54: {  	s25 =	sshll.u32 s24, $0x4  }
0x55: {  	s26 =	sadd.s32 s23, s25  }
0x56: {  	p0 =	por $0x1, $0x1;
	s28 =	simm.s32 $0x0;
	s26 =	sshll.u32 s26, $0x7  }
.LBB2_5:
0x57: {  	s29 =	sshll.u32 s28, $0x9  }
0x58: {  	s29 =	sor.u32 s26, s29  }
0x59: {  	v7 =	vld [tilespmem:s29+$0x600]  }
0x5a: {  	v8 =	vld [tilespmem:s29+$0x8600]  }
0x5b: {  	v9 =	vld [tilespmem:s29+$0x610]  }
0x5c: {  	v10 =	vld [tilespmem:s29+$0x8610]  }
0x5d: {  	v11 =	vld [tilespmem:s29+$0x620]  }
0x5e: {  	v12 =	vld [tilespmem:s29+$0x8620]  }
0x5f: {  	v13 =	vld [tilespmem:s29+$0x630]  }
0x60: {  	v14 =	vld [tilespmem:s29+$0x8630]  }
0x61: {  	v15 =	vld [tilespmem:s29+$0x640]  }
0x62: {  	v16 =	vld [tilespmem:s29+$0x8640]  }
0x63: {  	v17 =	vld [tilespmem:s29+$0x650]  }
0x64: {  	v18 =	vld [tilespmem:s29+$0x8650]  }
0x65: {  	v19 =	vld [tilespmem:s29+$0x660]  }
0x66: {  	v20 =	vld [tilespmem:s29+$0x8660]  }
0x67: {  	v21 =	vld [tilespmem:s29+$0x670]  }
0x68: {  	v22 =	vld [tilespmem:s29+$0x8670]  }
0x69: {  	v23 =	vld [tilespmem:s29+$0x680]  }
0x6a: {  	v24 =	vld [tilespmem:s29+$0x8680]  }
0x6b: {  	v25 =	vld [tilespmem:s29+$0x690]  }
0x6c: {  	v26 =	vld [tilespmem:s29+$0x8690]  }
0x6d: {  	v27 =	vld [tilespmem:s29+$0x6A0]  }
0x6e: {  	v28 =	vld [tilespmem:s29+$0x86A0]  }
0x6f: {  	v29 =	vld [tilespmem:s29+$0x6B0]  }
0x70: {  	v30 =	vld [tilespmem:s29+$0x86B0]  }
0x71: {  	v31 =	vld [tilespmem:s29+$0x6C0]  }
0x72: {  	v32 =	vld [tilespmem:s29+$0x86C0]  }
0x73: {  	v33 =	vld [tilespmem:s29+$0x6D0]  }
0x74: {  	v34 =	vld [tilespmem:s29+$0x86D0]  }
0x75: {  	v35 =	vld [tilespmem:s29+$0x6E0]  }
0x76: {  	v36 =	vld [tilespmem:s29+$0x86E0]  }
0x77: {  	v37 =	vld [tilespmem:s29+$0x6F0]  }
0x78: {  	v38 =	vld [tilespmem:s29+$0x86F0]  }
0x79: {  	v39 =	vld [tilespmem:s29+$0x700]  }
0x7a: {  	v40 =	vld [tilespmem:s29+$0x8700]  }
0x7b: {  	v41 =	vld [tilespmem:s29+$0x710]  }
0x7c: {  	v42 =	vld [tilespmem:s29+$0x8710]  }
0x7d: {  	v43 =	vld [tilespmem:s29+$0x720]  }
0x7e: {  	v44 =	vld [tilespmem:s29+$0x8720]  }
0x7f: {  	v45 =	vld [tilespmem:s29+$0x730]  }
0x80: {  	v46 =	vld [tilespmem:s29+$0x8730]  }
0x81: {  	v47 =	vld [tilespmem:s29+$0x740]  }
0x82: {  	v48 =	vld [tilespmem:s29+$0x8740]  }
0x83: {  	v49 =	vld [tilespmem:s29+$0x750]  }
0x84: {  	v50 =	vld [tilespmem:s29+$0x8750]  }
0x85: {  	v51 =	vld [tilespmem:s29+$0x760]  }
0x86: {  	v52 =	vld [tilespmem:s29+$0x8760]  }
0x87: {  	v53 =	vld [tilespmem:s29+$0x770]  }
0x88: {  	v54 =	vld [tilespmem:s29+$0x8770]  }
0x89: {  	v55 =	vld [tilespmem:s29+$0x780]  }
0x8a: {  	v56 =	vld [tilespmem:s29+$0x8780]  }
0x8b: {  	v57 =	vld [tilespmem:s29+$0x790];
	v7 =	vmul.f32 v8, v7  }
0x8c: {  	v58 =	vld [tilespmem:s29+$0x8790];
	v8 =	vmul.f32 v10, v9;
	v61 =	vmul.f32 v12, v11  }
0x8d: {  	v9 =	vld [tilespmem:s29+$0x7A0];
	v62 =	vmul.f32 v16, v15;
	v63 =	vmul.f32 v18, v17  }
0x8e: {  	v12 =	vld [tilespmem:s29+$0x87A0];
	v20 =	vmul.f32 v20, v19;
	v13 =	vmul.f32 v14, v13  }
0x8f: {  	v17 =	vld [tilespmem:s29+$0x7B0];
	v22 =	vmul.f32 v22, v21;
	v24 =	vmul.f32 v24, v23  }
0x90: {  	v14 =	vld [tilespmem:s29+$0x87B0];
	v59 =	vmul.f32 v26, v25;
	v60 =	vmul.f32 v28, v27  }
0x91: {  	v16 =	vld [tilespmem:s29+$0x7C0];
	v7 =	vadd.f32 v62, v7;
	v8 =	vadd.f32 v63, v8;
	v62 =	vmul.f32 v34, v33  }
0x92: {  	v10 =	vadd.f32 v20, v61;
	v61 =	vld [tilespmem:s29+$0x87C0];
	v34 =	vmul.f32 v38, v37;
	v37 =	vmul.f32 v42, v41  }
0x93: {  	v63 =	vld [tilespmem:s29+$0x7D0];
	v42 =	vmul.f32 v48, v47;
	v47 =	vmul.f32 v56, v55  }
0x94: {  	v33 =	vld [tilespmem:s29+$0x87D0];
	v48 =	vmul.f32 v58, v57;
	v7 =	vadd.f32 v8, v7;
	v8 =	vmul.f32 v32, v31  }
0x95: {  	v11 =	vadd.f32 v22, v13;
	v38 =	vld [tilespmem:s29+$0x87E0];
	v31 =	vmul.f32 v30, v29;
	v32 =	vmul.f32 v36, v35  }
0x96: {  	v41 =	vld [tilespmem:s29+$0x7F0];
	v36 =	vmul.f32 v40, v39;
	v39 =	vmul.f32 v44, v43  }
0x97: {  	v10 =	vadd.f32 v11, v10;
	v35 =	vld [tilespmem:s29+$0x7E0];
	v40 =	vmul.f32 v46, v45;
	v43 =	vmul.f32 v50, v49  }
0x98: {  	v13 =	vadd.f32 v62, v59;
	v44 =	vld [tilespmem:s29+$0x87F0];
	v45 =	vmul.f32 v52, v51;
	v46 =	vmul.f32 v54, v53  }
0x99: {  	v9 =	vmul.f32 v12, v9;
	v8 =	vadd.f32 v8, v24;
	v18 =	vadd.f32 v32, v60  }
0x9a: {  	v49 =	vmul.f32 v14, v17;
	v11 =	vadd.f32 v34, v31;
	v24 =	vadd.f32 v43, v37  }
0x9b: {  	v50 =	vadd.f32 v45, v39;
	v53 =	vadd.f32 v46, v40;
	v51 =	vmul.f32 v61, v16  }
0x9c: {  	v52 =	vmul.f32 v33, v63;
	v8 =	vadd.f32 v13, v8;
	v11 =	vadd.f32 v11, v18  }
0x9d: {  	v13 =	vadd.f32 v42, v36;
	v54 =	vmul.f32 v38, v35;
	v55 =	vmul.f32 v44, v41  }
0x9e: {  	v15 =	vadd.f32 v51, v47;
	v16 =	vadd.f32 v52, v48  }
0x9f: {  	v9 =	vadd.f32 v54, v9;
	v12 =	vadd.f32 v55, v49  }
0xa0: {  	v14 =	vadd.f32 v53, v50;
	v13 =	vadd.f32 v24, v13  }
0xa1: {  	v15 =	vadd.f32 v16, v15;
	v9 =	vadd.f32 v12, v9  }
0xa2: {  	v7 =	vadd.f32 v10, v7;
	v8 =	vadd.f32 v11, v8  }
0xa3: {  	v56 =	vadd.f32 v14, v13;
	v9 =	vadd.f32 v9, v15  }
0xa4: {  	v57 =	vperm.xlane v7, v0;
	v58 =	vperm.xlane v8, v0  }
0xa5: {  	v13 =	vperm.xlane v56, v0;
	v59 =	vperm.xlane v9, v0  }
0xa6: {  	v8 =	vsel vm0, v57, v8  }
0xa7: {  	v7 =	vsel vm0, v7, v58;
	v9 =	vsel vm0, v13, v9;
	v10 =	vsel vm0, v56, v59  }
0xa8: {  	v7 =	vadd.f32 v8, v7;
	v8 =	vadd.f32 v9, v10;
	_ =	sdelay $0x1  }
0xa9: {  	v60 =	vperm.xlane v7, v1;
	v10 =	vperm.xlane v8, v1;
	_ =	sdelay $0x1  }
0xaa: {  	v8 =	vsel vm1, v60, v8;
	v7 =	vsel vm1, v7, v10  }
0xab: {  	s30 =	sshll.u32 s28, $0x4;
	s28 =	sor.u32 $0x1, s28;
	v7 =	vadd.f32 v8, v7  }
0xac: {  	s29 =	sand.u32 $0x3FFFFFF0, s30;
	s30 =	sshll.u32 s28, $0x9  }
0xad: {  	s31 =	sor.u32 s26, s30;
	[tilespmem:s29+$0x10800] =	vst v7  }
0xae: {  	v7 =	vld [tilespmem:s31+$0x600]  }
0xaf: {  	v8 =	vld [tilespmem:s31+$0x8600]  }
0xb0: {  	v9 =	vld [tilespmem:s31+$0x610]  }
0xb1: {  	v10 =	vld [tilespmem:s31+$0x8610]  }
0xb2: {  	v11 =	vld [tilespmem:s31+$0x620]  }
0xb3: {  	v61 =	vld [tilespmem:s31+$0x8620]  }
0xb4: {  	v13 =	vld [tilespmem:s31+$0x630]  }
0xb5: {  	v14 =	vld [tilespmem:s31+$0x8630]  }
0xb6: {  	v15 =	vld [tilespmem:s31+$0x640]  }
0xb7: {  	v62 =	vld [tilespmem:s31+$0x8640]  }
0xb8: {  	v17 =	vld [tilespmem:s31+$0x650]  }
0xb9: {  	v63 =	vld [tilespmem:s31+$0x8650]  }
0xba: {  	v19 =	vld [tilespmem:s31+$0x660]  }
0xbb: {  	v20 =	vld [tilespmem:s31+$0x8660]  }
0xbc: {  	v21 =	vld [tilespmem:s31+$0x670]  }
0xbd: {  	v22 =	vld [tilespmem:s31+$0x8670]  }
0xbe: {  	v23 =	vld [tilespmem:s31+$0x680]  }
0xbf: {  	v60 =	vld [tilespmem:s31+$0x8680]  }
0xc0: {  	v25 =	vld [tilespmem:s31+$0x690]  }
0xc1: {  	v26 =	vld [tilespmem:s31+$0x8690]  }
0xc2: {  	v27 =	vld [tilespmem:s31+$0x6A0]  }
0xc3: {  	v28 =	vld [tilespmem:s31+$0x86A0]  }
0xc4: {  	v29 =	vld [tilespmem:s31+$0x6B0]  }
0xc5: {  	v30 =	vld [tilespmem:s31+$0x86B0]  }
0xc6: {  	v31 =	vld [tilespmem:s31+$0x6C0]  }
0xc7: {  	v32 =	vld [tilespmem:s31+$0x86C0]  }
0xc8: {  	v33 =	vld [tilespmem:s31+$0x6D0]  }
0xc9: {  	v34 =	vld [tilespmem:s31+$0x86D0]  }
0xca: {  	v35 =	vld [tilespmem:s31+$0x6E0]  }
0xcb: {  	v36 =	vld [tilespmem:s31+$0x86E0]  }
0xcc: {  	v37 =	vld [tilespmem:s31+$0x6F0]  }
0xcd: {  	v38 =	vld [tilespmem:s31+$0x86F0]  }
0xce: {  	v39 =	vld [tilespmem:s31+$0x700]  }
0xcf: {  	v40 =	vld [tilespmem:s31+$0x8700]  }
0xd0: {  	v41 =	vld [tilespmem:s31+$0x710]  }
0xd1: {  	v42 =	vld [tilespmem:s31+$0x8710]  }
0xd2: {  	v43 =	vld [tilespmem:s31+$0x720]  }
0xd3: {  	v44 =	vld [tilespmem:s31+$0x8720]  }
0xd4: {  	v45 =	vld [tilespmem:s31+$0x730]  }
0xd5: {  	v46 =	vld [tilespmem:s31+$0x8730]  }
0xd6: {  	v47 =	vld [tilespmem:s31+$0x740]  }
0xd7: {  	v48 =	vld [tilespmem:s31+$0x8740]  }
0xd8: {  	v49 =	vld [tilespmem:s31+$0x750]  }
0xd9: {  	v50 =	vld [tilespmem:s31+$0x8750]  }
0xda: {  	v51 =	vld [tilespmem:s31+$0x760]  }
0xdb: {  	v52 =	vld [tilespmem:s31+$0x8760]  }
0xdc: {  	v53 =	vld [tilespmem:s31+$0x770]  }
0xdd: {  	v54 =	vld [tilespmem:s31+$0x8770]  }
0xde: {  	v55 =	vld [tilespmem:s31+$0x780]  }
0xdf: {  	v56 =	vld [tilespmem:s31+$0x8780]  }
0xe0: {  	v57 =	vld [tilespmem:s31+$0x790];
	v7 =	vmul.f32 v8, v7;
	v8 =	vmul.f32 v10, v9  }
0xe1: {  	v58 =	vld [tilespmem:s31+$0x8790];
	v61 =	vmul.f32 v61, v11;
	v62 =	vmul.f32 v62, v15  }
0xe2: {  	v12 =	vld [tilespmem:s31+$0x87A0];
	v63 =	vmul.f32 v63, v17;
	v20 =	vmul.f32 v20, v19  }
0xe3: {  	v9 =	vld [tilespmem:s31+$0x7A0];
	v13 =	vmul.f32 v14, v13;
	v22 =	vmul.f32 v22, v21  }
0xe4: {  	v17 =	vld [tilespmem:s31+$0x7B0];
	v59 =	vmul.f32 v60, v23;
	v35 =	vmul.f32 v36, v35  }
0xe5: {  	v14 =	vld [tilespmem:s31+$0x87B0];
	v37 =	vmul.f32 v38, v37;
	v39 =	vmul.f32 v40, v39  }
0xe6: {  	v60 =	vld [tilespmem:s31+$0x7C0];
	v40 =	vmul.f32 v42, v41;
	v42 =	vmul.f32 v44, v43  }
0xe7: {  	v36 =	vld [tilespmem:s31+$0x87D0];
	v43 =	vmul.f32 v46, v45;
	v45 =	vmul.f32 v48, v47  }
0xe8: {  	v38 =	vld [tilespmem:s31+$0x7E0];
	v46 =	vmul.f32 v50, v49;
	v48 =	vmul.f32 v52, v51  }
0xe9: {  	v41 =	vld [tilespmem:s31+$0x87E0];
	v49 =	vmul.f32 v54, v53;
	v50 =	vmul.f32 v56, v55;
	v7 =	vadd.f32 v62, v7  }
0xea: {  	v44 =	vld [tilespmem:s31+$0x7F0];
	v51 =	vmul.f32 v58, v57;
	v8 =	vadd.f32 v63, v8;
	v10 =	vadd.f32 v20, v61  }
0xeb: {  	v47 =	vld [tilespmem:s31+$0x87F0];
	v11 =	vadd.f32 v22, v13;
	v61 =	vmul.f32 v26, v25;
	v24 =	vadd.f32 v46, v40  }
0xec: {  	v62 =	vmul.f32 v28, v27;
	v63 =	vld [tilespmem:s31+$0x87C0];
	v53 =	vadd.f32 v48, v42;
	v56 =	vadd.f32 v49, v43  }
0xed: {  	v7 =	vadd.f32 v8, v7;
	v8 =	vmul.f32 v32, v31;
	v32 =	vmul.f32 v34, v33;
	v33 =	vld [tilespmem:s31+$0x7D0]  }
0xee: {  	v10 =	vadd.f32 v11, v10;
	v34 =	vmul.f32 v30, v29;
	v9 =	vmul.f32 v12, v9  }
0xef: {  	v18 =	vadd.f32 v35, v62;
	v52 =	vmul.f32 v14, v17;
	v57 =	vmul.f32 v41, v38  }
0xf0: {  	v58 =	vmul.f32 v47, v44;
	v14 =	vadd.f32 v56, v53;
	v8 =	vadd.f32 v8, v59  }
0xf1: {  	v13 =	vadd.f32 v32, v61;
	v11 =	vadd.f32 v37, v34;
	v54 =	vmul.f32 v63, v60  }
0xf2: {  	v9 =	vadd.f32 v57, v9;
	v12 =	vadd.f32 v58, v52;
	v55 =	vmul.f32 v36, v33  }
0xf3: {  	v8 =	vadd.f32 v13, v8;
	v13 =	vadd.f32 v45, v39  }
0xf4: {  	v15 =	vadd.f32 v54, v50;
	v16 =	vadd.f32 v55, v51  }
0xf5: {  	v11 =	vadd.f32 v11, v18;
	v9 =	vadd.f32 v12, v9  }
0xf6: {  	v13 =	vadd.f32 v24, v13;
	v15 =	vadd.f32 v16, v15  }
0xf7: {  	v7 =	vadd.f32 v10, v7;
	v8 =	vadd.f32 v11, v8  }
0xf8: {  	v59 =	vadd.f32 v14, v13;
	v9 =	vadd.f32 v9, v15  }
0xf9: {  	v60 =	vperm.xlane v7, v0;
	v61 =	vperm.xlane v8, v0  }
0xfa: {  	v13 =	vperm.xlane v59, v0;
	v62 =	vperm.xlane v9, v0  }
0xfb: {  	v8 =	vsel vm0, v60, v8  }
0xfc: {  	v7 =	vsel vm0, v7, v61;
	v9 =	vsel vm0, v13, v9;
	v10 =	vsel vm0, v59, v62  }
0xfd: {  	v7 =	vadd.f32 v8, v7;
	v8 =	vadd.f32 v9, v10;
	_ =	sdelay $0x1  }
0xfe: {  	p1 =	por p0, p0;
	v63 =	vperm.xlane v7, v1;
	v10 =	vperm.xlane v8, v1  }
.Ltmp0:
0xff: {  	_ = 	snop;
	(pc) =	sbr.rel @p1 .LBB2_5-.Ltmp0, $4  }
0x100: {  	v8 =	vsel vm1, v63, v8;
	v7 =	vsel vm1, v7, v10  }
0x101: {  	s28 =	sshll.u32 s28, $0x4;
	v7 =	vadd.f32 v8, v7  }
0x102: {  	s28 =	sand.u32 $0x3FFFFFF0, s28  }
0x103: {  	p0 =	por $0x0, $0x0;
	[tilespmem:s28+$0x10800] =	vst v7;
	s28 =	simm.s32 $0x2  }
0x104: {  	_ =	sdelay $0x3  }
0x105: {  	v7 =	vld.idx.msk [tilespmem:v6+s25+$0x0 ss:$0x1], $0xffff;
	_ =	sdelay $0x4  }
0x106: {  	v8 =	vmul.f32 $1.525878910e-05, v7  }
0x107: {  	vm4 =	vge.f32 v7, $6.553600000e+04  }
0x108: {  	v7 =	vsel vm4, v8, v7  }
0x109: {  	v8 =	vmul.f32 $3.906250000e-03, v7  }
0x10a: {  	vm5 =	vge.f32 v7, $2.560000000e+02  }
0x10b: {  	v7 =	vsel vm5, v8, v7  }
0x10c: {  	v8 =	vmul.f32 $6.250000000e-02, v7  }
0x10d: {  	vm6 =	vge.f32 v7, $1.600000000e+01  }
0x10e: {  	v7 =	vsel vm6, v8, v7  }
0x10f: {  	v8 =	vmul.f32 $2.500000000e-01, v7  }
0x110: {  	vm7 =	vge.f32 v7, $4.000000000e+00  }
0x111: {  	v7 =	vsel vm7, v8, v7  }
0x112: {  	v8 =	vmul.f32 $5.000000000e-01, v7  }
0x113: {  	vm8 =	vge.f32 v7, $2.000000000e+00  }
0x114: {  	v7 =	vsel vm8, v8, v7  }
0x115: {  	v8 =	vadd.f32 $1.000000000e+00, v7;
	_ =	sdelay $0x1  }
0x116: {  	(erf) = vrcp.f32 v8;
	_ =	sdelay $0x7  }
0x117: {  	v7 =	vadd.f32 $-1.000000000e+00, v7  }
0x118: {  	v8 =	vpop (erf)  }
0x119: {  	v7 =	vmul.f32 v8, v7;
	_ =	sdelay $0x1  }
0x11a: {  	v8 =	vmul.f32 v7, v7;
	_ =	sdelay $0x1  }
0x11b: {  	v9 =	vmul.f32 $1.111111120e-01, v8;
	_ =	sdelay $0x1  }
0x11c: {  	v9 =	vadd.f32 $1.428571490e-01, v9;
	_ =	sdelay $0x1  }
0x11d: {  	v9 =	vmul.f32 v9, v8;
	_ =	sdelay $0x1  }
0x11e: {  	v10 =	vsel vm4, $0x41800000, v4;
	v11 =	vsel vm5, $0x41000000, v4;
	v9 =	vadd.f32 $2.000000030e-01, v9  }
0x11f: {  	v10 =	vadd.f32 v11, v10  }
0x120: {  	v50 =	vsel vm6, $0x40800000, v4;
	v9 =	vmul.f32 v9, v8  }
0x121: {  	v10 =	vadd.f32 v50, v10  }
0x122: {  	v51 =	vsel vm7, $0x40000000, v4;
	v9 =	vadd.f32 $3.333333430e-01, v9  }
0x123: {  	v10 =	vadd.f32 v51, v10  }
0x124: {  	v52 =	vsel vm8, $0x3F800000, v4;
	v8 =	vmul.f32 v9, v8  }
0x125: {  	v53 =	vld [tilespmem:$0x10800];
	v10 =	vadd.f32 v52, v10  }
0x126: {  	v54 =	vld [tilespmem:$0x10810];
	v7 =	vadd.f32 v7, v7;
	v8 =	vadd.f32 $1.000000000e+00, v8  }
0x127: {  	v12 =	vld [tilespmem:$0x10820]  }
0x128: {  	v13 =	vld [tilespmem:$0x10830];
	v7 =	vmul.f32 v8, v7;
	v8 =	vmul.f32 $6.931471820e-01, v10;
	_ =	sdelay $0x1  }
0x129: {  	v7 =	vadd.f32 v7, v8;
	_ =	sdelay $0x1  }
0x12a: {  	v55 =	vperm.xlane v54, v2;
	v8 =	vperm.xlane v53, v2;
	v14 =	vadd.f32 $-4.605170250e+00, v7  }
0x12b: {  	v15 =	vperm.xlane v12, v2;
	v16 =	vperm.xlane v13, v2  }
0x12c: {  	v9 =	vsel vm2, v53, v55;
	v8 =	vsel vm2, v8, v54;
	v56 =	vmul.f32 $7.500000000e-01, v14  }
0x12d: {  	v57 =	vsel vm2, v12, v16;
	v58 =	vsel vm2, v15, v13;
	v8 =	vadd.f32 v9, v8  }
0x12e: {  	v9 =	vadd.f32 v57, v58;
	v10 =	vmul.f32 $1.442695020e+00, v56  }
0x12f: {  	s31 =	sor.u32 s23, s25;
	v59 =	vperm.xlane v8, v3  }
0x130: {  	v61 =	vld [tilespmem:s31+$0x10600];
	v60 =	vperm.xlane v9, v3;
	(erf) = vpow2.f32 v10;
	_ =	sdelay $0x1  }
0x131: {  	v62 =	vld [tilespmem:s31+$0x10700];
	v8 =	vsel vm3, v8, v60;
	v9 =	vsel vm3, v59, v9  }
0x132: {  	v8 =	vadd.f32 v9, v8;
	_ =	sdelay $0x1  }
0x133: {  	v8 =	vadd.f32 v61, v8;
	_ =	sdelay $0x1  }
0x134: {  	v8 =	vadd.f32 v62, v8;
	_ =	sdelay $0x1  }
0x135: {  	s24 =	sadd.s32 $0x1, s24;
	v7 =	vsub.f32 v8, v7;
	v63 =	vpop (erf)  }
0x136: {  	p0 =	seq.s32 s24, $0x8;
	v8 =	vmin.f32 v63, $1.000000000e+00  }
.Ltmp1:
0x137: {  	v8 =	vmul.f32 v8, v7;
	(pc) =	sbr.rel @!p0 .LBB2_4-.Ltmp1, $3  }
0x138: {  	_ = 	snop  }
0x139: {  	v7 =	vmul.f32 v8, v7;
	_ =	sdelay $0x1  }
0x13a: {  	v5 =	vadd.f32 v7, v5  }
0x13b: {  	p0 =	sgt.u32 s22, $0x3  }
.Ltmp2:
0x13c: {  	_ = 	snop;
	(pc) =	sbr.rel @!p0 .LBB2_3-.Ltmp2, $1  }
0x13d: {  	_ =	sdelay $0x3  }
0x13e: {  	s21 =	sadd.s32 $0x1, s21  }
0x13f: {  	p0 =	sne.s32 s21, s11  }
.Ltmp3:
0x140: {  	[tilespmem:$0x10900] =	vst v5;
	(pc) =	sbr.rel @p0 .LBB2_1-.Ltmp3, $4  }
0x141: {  	[hbm4b:s10+s6] =	stream.linear.scatter [tilespmem:s20], [sflag:$0x3], $0x80, $0x38;
	[tilespmem:$0x10980] =	vst v63  }
0x142: {  	_ =	swait.ge [sflag:s12], $0x80  }
0x143: {  	[sflag:s12] =	ssyncset.done $0x0  }
0x144: {  	[sflag:s12] =	ssyncadd.s32 $0xFFFFFF80  }
0x145: {  	_ =	sfence.sel $0x180000  }
0x146: {  	[bflag:$0x0] =	sbarrier.arrive $0xFFFF  }
0x147: {  	p0 =	sne.s32 s4, $0x0;
	_ =	strace $0x90000047  }
0x148: {  	s0 =	sadd.s32 @!p0 $0x100000, s5;
	[bflag:$0x2] =	sbarrier.arrive $0xFFFF  }
0x149: {  	[sflag:s0] =	ssyncadd.tile.s32 @!p0 $0x1;
	_ =	shalt  }
.Lfunc_end2:
_tile_overlayer_lowered:
.L_overlay_start_2:
0x14a: {  	(tag) =	ssettag $0x2  }
0x14b: {  	s0 =	rddreg [dreg:$0x0];
	s2 =	stileid.u32  }
0x14c: {  	s1 =	rddreg [dreg:$0x1];
	p0 =	sne.s32 s2, $0x0  }
0x14d: {  	s3 =	rddreg [dreg:$0x2];
	[bflag:$0x3] =	sbarrier.arrive $0xFFFF;
	s2 =	simm.s32 @!p0 $0x1C03  }
0x14e: {  	[timem:s3], [sflag:s2] =	dma.local @!p0 [hbm:s0], s1  }
0x14f: {  	s0 =	simm.s32 @!p0 $0x3  }
0x150: {  	_ =	swait.ge @!p0 [sflag:s0], s1  }
0x151: {  	s1 =	ssub.s32 @!p0 $0x0, s1;
	[sflag:s0] =	ssyncset.done @!p0 $0x0  }
0x152: {  	[sflag:s0] =	ssyncadd.s32 @!p0 s1  }
0x153: {  	[bflag:$0x3] =	sbarrier.arrive $0xFFFF  }
0x154: {  	_ =	shalt  }

</sc_bundles>
